<compile_context>
chip_gen: v7x
topology: tpu7x:2x2x1
jax: 0.10.2.dev20260603
libtpu: 0.0.44.dev20260713+nightly
codegen_flags: <defaults>
</compile_context>

<pallas_src>
import functools

import jax
import jax.numpy as jnp
from jax import lax
from jax.experimental import pallas as pl
from jax.experimental.pallas import tpu as pltpu
from jax.experimental.pallas import tpu_sc as plsc

CTX = 1000
B, S = 1024, 50
ROWS = B * S
NW = 32
BPW = B // NW
L = 16
NBUF = 2


def _body(seq_hbm, out_hbm, idx_v, buf0, buf1, sem0, sem1):
    cid = lax.axis_index("c")
    sid = lax.axis_index("s")
    wid = sid * 2 + cid
    b0 = wid * BPW
    row0 = b0 * S

    pltpu.sync_copy(seq_hbm.at[pl.ds(row0, BPW * S)],
                    idx_v.at[pl.ds(0, BPW * S)])
    idx_v[pl.ds(BPW * S, L)] = jnp.zeros((L,), jnp.int32)

    zero16 = jnp.zeros((L,), jnp.float32)
    one16 = jnp.full((L,), 1.0, jnp.float32)
    iota16 = lax.iota(jnp.int32, L)
    mask2 = iota16 < (S - 3 * L)

    bufs = (buf0, buf1)
    sems = (sem0, sem1)

    col_starts = list(range(0, CTX - L, L)) + [CTX - L]
    def _zero_body(s, carry):
        for bz in bufs:
            for base in col_starts:
                bz[0, s, pl.ds(base, L)] = zero16
        return carry
    lax.fori_loop(0, S, _zero_body, 0)

    zrow = iota16 - iota16

    def _patch(buf, c, val16):
        for o in range(0, S, L):
            n = min(L, S - o)
            vals = idx_v[pl.ds(c * S + o, L)]
            m = None if n == L else mask2
            plsc.store_scatter(buf, [zrow, iota16 + o, vals], val16, mask=m)

    ROW_SPLITS = ((0, 24), (24, S - 24))

    def _fire(buf, c, sem):
        for r0, rn in ROW_SPLITS:
            pltpu.async_copy(buf.at[:, pl.ds(r0, rn)],
                             out_hbm.at[pl.ds(b0 + c, 1), pl.ds(r0, rn)], sem)

    def _drain(buf, c, sem):
        for r0, rn in ROW_SPLITS:
            pltpu.make_async_copy(
                buf.at[:, pl.ds(r0, rn)],
                out_hbm.at[pl.ds(b0 + c, 1), pl.ds(r0, rn)], sem).wait()

    _patch(buf0, 0, one16)
    _fire(buf0, 0, sem0)
    _patch(buf1, 1, one16)
    _fire(buf1, 1, sem1)

    def _loop_body(i, carry):
        for b, (buf, sem) in enumerate(zip(bufs, sems)):
            c = 2 * i + 2 + b
            _drain(buf, c, sem)
            _patch(buf, c - 2, zero16)
            _patch(buf, c, one16)
            _fire(buf, c, sem)
        return carry
    lax.fori_loop(0, (BPW - NBUF) // NBUF, _loop_body, 0)

    for b, (buf, sem) in enumerate(zip(bufs, sems)):
        _drain(buf, b, sem)


@jax.jit
def _onehot_sc(seq_flat):
    kern = functools.partial(
        pl.kernel,
        mesh=plsc.VectorSubcoreMesh(core_axis_name="c", subcore_axis_name="s"),
        out_type=jax.ShapeDtypeStruct((B, S, CTX), jnp.float32),
        scratch_types=[
            pltpu.VMEM((BPW * S + L,), jnp.int32),
            pltpu.VMEM((1, S, CTX), jnp.float32),
            pltpu.VMEM((1, S, CTX), jnp.float32),
            pltpu.SemaphoreType.DMA,
            pltpu.SemaphoreType.DMA,
        ],
        compiler_params=pltpu.CompilerParams(needs_layout_passes=False),
    )(_body)
    return kern(seq_flat)


def kernel(sequence):
    seq_flat = sequence.reshape(ROWS).astype(jnp.int32)
    return _onehot_sc(seq_flat)

# --- scband reference (transcript-rebuilt; emitter-appended) ---
"""Pipeline reference for scband-context-encoding-72344429134036 (READ-ONLY COPY).

The authoritative reference and input builder live on the scoring server;
editing this copy changes nothing except your own understanding.
"""

import jax, jax.numpy as jnp
import numpy as np

CONTEXT_SIZE = 1000

def setup_inputs(seed: int = 0) -> dict:
    key = jax.random.key(seed)
    sequence = jax.random.randint(key, (1024, 50), 0, CONTEXT_SIZE, dtype=jnp.int64 if jax.config.jax_enable_x64 else jnp.int32)
    return {"sequence": sequence}

def reference(sequence) -> jnp.ndarray:
    # Faithful translation of torch.nn.functional.one_hot(sequence, num_classes=size).type(torch.float)
    out = jax.nn.one_hot(sequence, CONTEXT_SIZE, dtype=jnp.float32)
    return out

if __name__ == "__main__":
    import jax
    _d = setup_inputs()
    print(jax.jit(kernel)(*tuple(_d.values())))

</pallas_src>

<mosaic_0001>
#map = affine_map<(d0, d1) -> (0)>
#map1 = affine_map<(d0, d1) -> (0, 0, 0)>
module attributes {stable_mosaic.version = 14 : i64} {
  func.func @_body(%arg0: i32, %arg1: i32, %arg2: memref<51200xi32, #tpu.memory_space<hbm>>, %arg3: memref<1024x50x1000xf32, #tpu.memory_space<hbm>>, %arg4: memref<1616xi32, #tpu.memory_space<vmem>>, %arg5: memref<1x50x1000xf32, #tpu.memory_space<vmem>>, %arg6: memref<1x50x1000xf32, #tpu.memory_space<vmem>>, %arg7: memref<!tpu.dma_semaphore, #tpu.memory_space<semaphore_mem>>, %arg8: memref<!tpu.dma_semaphore, #tpu.memory_space<semaphore_mem>>) attributes {dimension_semantics = [#tpu.dimension_semantics<core_parallel>, #tpu.dimension_semantics<subcore_parallel>], iteration_bounds = array<i64: 2, 16>, scalar_prefetch = 0 : i64, scratch_operands = 5 : i64, tpu.core_type = #tpu.core_type<sc_vector_subcore>, window_params = [{transform_indices = #map}, {transform_indices = #map1}]} {
    %mul3A = arith.constant 2 : i32
    %mul3A_0 = arith.muli %arg1, %mul3A : i32
    %add3A = arith.addi %mul3A_0, %arg0 : i32
    %mul3A_1 = arith.constant 32 : i32
    %mul3A_2 = arith.muli %add3A, %mul3A_1 : i32
    %mul3A_3 = arith.constant 50 : i32
    %mul3A_4 = arith.muli %mul3A_2, %mul3A_3 : i32
    "tpu.region"() ({
      %run_scoped3A = tpu.sem_alloc : memref<!tpu.dma_semaphore, #tpu.memory_space<semaphore_mem>>
      %dma_start3A_189 = arith.constant 0 : i32
      %dma_start3A_190 = tpu.memref_slice %arg4[%dma_start3A_189] : memref<1616xi32, #tpu.memory_space<vmem>> -> memref<1600xi32, #tpu.memory_space<vmem>>
      %dma_start3A_191 = tpu.memref_slice %arg2[%mul3A_4] : memref<51200xi32, #tpu.memory_space<hbm>> -> memref<1600xi32, #tpu.memory_space<hbm>>
      %dma_start3A_192 = arith.constant 0 : i32
      %dma_start3A_193 = tpu.memref_slice %arg4[%dma_start3A_192] : memref<1616xi32, #tpu.memory_space<vmem>> -> memref<1600xi32, #tpu.memory_space<vmem>>
      %dma_start3A_194 = tpu.memref_slice %arg2[%mul3A_4] : memref<51200xi32, #tpu.memory_space<hbm>> -> memref<1600xi32, #tpu.memory_space<hbm>>
      tpu.enqueue_dma source(%dma_start3A_194 : memref<1600xi32, #tpu.memory_space<hbm>>) target(%dma_start3A_193 : memref<1600xi32, #tpu.memory_space<vmem>>) target_semaphore(%run_scoped3A : memref<!tpu.dma_semaphore, #tpu.memory_space<semaphore_mem>>)
      %dma_wait3A_195 = arith.constant 0 : i32
      %dma_wait3A_196 = tpu.memref_slice %arg4[%dma_wait3A_195] : memref<1616xi32, #tpu.memory_space<vmem>> -> memref<1600xi32, #tpu.memory_space<vmem>>
      %dma_wait3A_197 = tpu.memref_slice %arg2[%mul3A_4] : memref<51200xi32, #tpu.memory_space<hbm>> -> memref<1600xi32, #tpu.memory_space<hbm>>
      %dma_wait3A_198 = arith.constant 0 : i32
      %dma_wait3A_199 = tpu.memref_slice %arg4[%dma_wait3A_198] : memref<1616xi32, #tpu.memory_space<vmem>> -> memref<1600xi32, #tpu.memory_space<vmem>>
      %dma_wait3A_200 = tpu.memref_slice %arg2[%mul3A_4] : memref<51200xi32, #tpu.memory_space<hbm>> -> memref<1600xi32, #tpu.memory_space<hbm>>
      tpu.wait_dma2 semaphore(%run_scoped3A : memref<!tpu.dma_semaphore, #tpu.memory_space<semaphore_mem>>) src(%dma_wait3A_200 : memref<1600xi32, #tpu.memory_space<hbm>>) dst(%dma_wait3A_199 : memref<1600xi32, #tpu.memory_space<vmem>>)
      tpu.yield
    }) : () -> ()
    %broadcast_in_dim3A = arith.constant 0 : i32
    %broadcast_in_dim3A_5 = vector.broadcast %broadcast_in_dim3A : i32 to vector<16xi32>
    %swap3A = arith.constant 1600 : index
    %swap3A_6 = tpu.vector_load %arg4[%swap3A] {strides = array<i32>} : memref<1616xi32, #tpu.memory_space<vmem>>, vector<16xi32>,
    tpu.vector_store %arg4[%swap3A], %broadcast_in_dim3A_5 {strides = array<i32>} : memref<1616xi32, #tpu.memory_space<vmem>>, vector<16xi32>,
    %broadcast_in_dim3A_7 = arith.constant 0.000000e+00 : f32
    %broadcast_in_dim3A_8 = vector.broadcast %broadcast_in_dim3A_7 : f32 to vector<16xf32>
    %broadcast_in_dim3A_9 = arith.constant 1.000000e+00 : f32
    %broadcast_in_dim3A_10 = vector.broadcast %broadcast_in_dim3A_9 : f32 to vector<16xf32>
    %iota3A = tpu.iota {dimensions = array<i32: 0>} : vector<16xi32>
    %lt3A = arith.constant 2 : i32
    %lt3A_11 = vector.broadcast %lt3A : i32 to vector<16xi32>
    %lt3A_12 = arith.cmpi slt, %iota3A, %lt3A_11 : vector<16xi32>
    %scan3A = arith.constant 0 : i32
    %scan3A_13 = arith.constant 0 : i32
    %scan3A_14 = arith.constant 50 : i32
    %scan3A_15 = arith.addi %scan3A_13, %scan3A_14 : i32
    %scan3A_16 = arith.constant 1 : i32
    scf.for %scan3A_189 = %scan3A_13 to %scan3A_15 step %scan3A_16  : i32 {
      %swap3A_190 = arith.constant 0 : i32
      %swap3A_191 = arith.index_cast %swap3A_190 : i32 to index
      %swap3A_192 = arith.index_cast %scan3A_189 : i32 to index
      %swap3A_193 = arith.constant 0 : index
      %swap3A_194 = tpu.vector_load %arg5[%swap3A_191, %swap3A_192, %swap3A_193] {strides = array<i32>} : memref<1x50x1000xf32, #tpu.memory_space<vmem>>, vector<16xf32>,
      tpu.vector_store %arg5[%swap3A_191, %swap3A_192, %swap3A_193], %broadcast_in_dim3A_8 {strides = array<i32>} : memref<1x50x1000xf32, #tpu.memory_space<vmem>>, vector<16xf32>,
      %swap3A_195 = arith.constant 0 : i32
      %swap3A_196 = arith.index_cast %swap3A_195 : i32 to index
      %swap3A_197 = arith.index_cast %scan3A_189 : i32 to index
      %swap3A_198 = arith.constant 16 : index
      %swap3A_199 = tpu.vector_load %arg5[%swap3A_196, %swap3A_197, %swap3A_198] {strides = array<i32>} : memref<1x50x1000xf32, #tpu.memory_space<vmem>>, vector<16xf32>,
      tpu.vector_store %arg5[%swap3A_196, %swap3A_197, %swap3A_198], %broadcast_in_dim3A_8 {strides = array<i32>} : memref<1x50x1000xf32, #tpu.memory_space<vmem>>, vector<16xf32>,
      %swap3A_200 = arith.constant 0 : i32
      %swap3A_201 = arith.index_cast %swap3A_200 : i32 to index
      %swap3A_202 = arith.index_cast %scan3A_189 : i32 to index
      %swap3A_203 = arith.constant 32 : index
      %swap3A_204 = tpu.vector_load %arg5[%swap3A_201, %swap3A_202, %swap3A_203] {strides = array<i32>} : memref<1x50x1000xf32, #tpu.memory_space<vmem>>, vector<16xf32>,
      tpu.vector_store %arg5[%swap3A_201, %swap3A_202, %swap3A_203], %broadcast_in_dim3A_8 {strides = array<i32>} : memref<1x50x1000xf32, #tpu.memory_space<vmem>>, vector<16xf32>,
      %swap3A_205 = arith.constant 0 : i32
      %swap3A_206 = arith.index_cast %swap3A_205 : i32 to index
      %swap3A_207 = arith.index_cast %scan3A_189 : i32 to index
      %swap3A_208 = arith.constant 48 : index
      %swap3A_209 = tpu.vector_load %arg5[%swap3A_206, %swap3A_207, %swap3A_208] {strides = array<i32>} : memref<1x50x1000xf32, #tpu.memory_space<vmem>>, vector<16xf32>,
      tpu.vector_store %arg5[%swap3A_206, %swap3A_207, %swap3A_208], %broadcast_in_dim3A_8 {strides = array<i32>} : memref<1x50x1000xf32, #tpu.memory_space<vmem>>, vector<16xf32>,
      %swap3A_210 = arith.constant 0 : i32
      %swap3A_211 = arith.index_cast %swap3A_210 : i32 to index
      %swap3A_212 = arith.index_cast %scan3A_189 : i32 to index
      %swap3A_213 = arith.constant 64 : index
      %swap3A_214 = tpu.vector_load %arg5[%swap3A_211, %swap3A_212, %swap3A_213] {strides = array<i32>} : memref<1x50x1000xf32, #tpu.memory_space<vmem>>, vector<16xf32>,
      tpu.vector_store %arg5[%swap3A_211, %swap3A_212, %swap3A_213], %broadcast_in_dim3A_8 {strides = array<i32>} : memref<1x50x1000xf32, #tpu.memory_space<vmem>>, vector<16xf32>,
      %swap3A_215 = arith.constant 0 : i32
      %swap3A_216 = arith.index_cast %swap3A_215 : i32 to index
      %swap3A_217 = arith.index_cast %scan3A_189 : i32 to index
      %swap3A_218 = arith.constant 80 : index
      %swap3A_219 = tpu.vector_load %arg5[%swap3A_216, %swap3A_217, %swap3A_218] {strides = array<i32>} : memref<1x50x1000xf32, #tpu.memory_space<vmem>>, vector<16xf32>,
      tpu.vector_store %arg5[%swap3A_216, %swap3A_217, %swap3A_218], %broadcast_in_dim3A_8 {strides = array<i32>} : memref<1x50x1000xf32, #tpu.memory_space<vmem>>, vector<16xf32>,
      %swap3A_220 = arith.constant 0 : i32
      %swap3A_221 = arith.index_cast %swap3A_220 : i32 to index
      %swap3A_222 = arith.index_cast %scan3A_189 : i32 to index
      %swap3A_223 = arith.constant 96 : index
      %swap3A_224 = tpu.vector_load %arg5[%swap3A_221, %swap3A_222, %swap3A_223] {strides = array<i32>} : memref<1x50x1000xf32, #tpu.memory_space<vmem>>, vector<16xf32>,
      tpu.vector_store %arg5[%swap3A_221, %swap3A_222, %swap3A_223], %broadcast_in_dim3A_8 {strides = array<i32>} : memref<1x50x1000xf32, #tpu.memory_space<vmem>>, vector<16xf32>,
      %swap3A_225 = arith.constant 0 : i32
      %swap3A_226 = arith.index_cast %swap3A_225 : i32 to index
      %swap3A_227 = arith.index_cast %scan3A_189 : i32 to index
      %swap3A_228 = arith.constant 112 : index
      %swap3A_229 = tpu.vector_load %arg5[%swap3A_226, %swap3A_227, %swap3A_228] {strides = array<i32>} : memref<1x50x1000xf32, #tpu.memory_space<vmem>>, vector<16xf32>,
      tpu.vector_store %arg5[%swap3A_226, %swap3A_227, %swap3A_228], %broadcast_in_dim3A_8 {strides = array<i32>} : memref<1x50x1000xf32, #tpu.memory_space<vmem>>, vector<16xf32>,
      %swap3A_230 = arith.constant 0 : i32
      %swap3A_231 = arith.index_cast %swap3A_230 : i32 to index
      %swap3A_232 = arith.index_cast %scan3A_189 : i32 to index
      %swap3A_233 = arith.constant 128 : index
      %swap3A_234 = tpu.vector_load %arg5[%swap3A_231, %swap3A_232, %swap3A_233] {strides = array<i32>} : memref<1x50x1000xf32, #tpu.memory_space<vmem>>, vector<16xf32>,
      tpu.vector_store %arg5[%swap3A_231, %swap3A_232, %swap3A_233], %broadcast_in_dim3A_8 {strides = array<i32>} : memref<1x50x1000xf32, #tpu.memory_space<vmem>>, vector<16xf32>,
      %swap3A_235 = arith.constant 0 : i32
      %swap3A_236 = arith.index_cast %swap3A_235 : i32 to index
      %swap3A_237 = arith.index_cast %scan3A_189 : i32 to index
      %swap3A_238 = arith.constant 144 : index
      %swap3A_239 = tpu.vector_load %arg5[%swap3A_236, %swap3A_237, %swap3A_238] {strides = array<i32>} : memref<1x50x1000xf32, #tpu.memory_space<vmem>>, vector<16xf32>,
      tpu.vector_store %arg5[%swap3A_236, %swap3A_237, %swap3A_238], %broadcast_in_dim3A_8 {strides = array<i32>} : memref<1x50x1000xf32, #tpu.memory_space<vmem>>, vector<16xf32>,
      %swap3A_240 = arith.constant 0 : i32
      %swap3A_241 = arith.index_cast %swap3A_240 : i32 to index
      %swap3A_242 = arith.index_cast %scan3A_189 : i32 to index
      %swap3A_243 = arith.constant 160 : index
      %swap3A_244 = tpu.vector_load %arg5[%swap3A_241, %swap3A_242, %swap3A_243] {strides = array<i32>} : memref<1x50x1000xf32, #tpu.memory_space<vmem>>, vector<16xf32>,
      tpu.vector_store %arg5[%swap3A_241, %swap3A_242, %swap3A_243], %broadcast_in_dim3A_8 {strides = array<i32>} : memref<1x50x1000xf32, #tpu.memory_space<vmem>>, vector<16xf32>,
      %swap3A_245 = arith.constant 0 : i32
      %swap3A_246 = arith.index_cast %swap3A_245 : i32 to index
      %swap3A_247 = arith.index_cast %scan3A_189 : i32 to index
      %swap3A_248 = arith.constant 176 : index
      %swap3A_249 = tpu.vector_load %arg5[%swap3A_246, %swap3A_247, %swap3A_248] {strides = array<i32>} : memref<1x50x1000xf32, #tpu.memory_space<vmem>>, vector<16xf32>,
      tpu.vector_store %arg5[%swap3A_246, %swap3A_247, %swap3A_248], %broadcast_in_dim3A_8 {strides = array<i32>} : memref<1x50x1000xf32, #tpu.memory_space<vmem>>, vector<16xf32>,
      %swap3A_250 = arith.constant 0 : i32
      %swap3A_251 = arith.index_cast %swap3A_250 : i32 to index
      %swap3A_252 = arith.index_cast %scan3A_189 : i32 to index
      %swap3A_253 = arith.constant 192 : index
      %swap3A_254 = tpu.vector_load %arg5[%swap3A_251, %swap3A_252, %swap3A_253] {strides = array<i32>} : memref<1x50x1000xf32, #tpu.memory_space<vmem>>, vector<16xf32>,
      tpu.vector_store %arg5[%swap3A_251, %swap3A_252, %swap3A_253], %broadcast_in_dim3A_8 {strides = array<i32>} : memref<1x50x1000xf32, #tpu.memory_space<vmem>>, vector<16xf32>,
      %swap3A_255 = arith.constant 0 : i32
      %swap3A_256 = arith.index_cast %swap3A_255 : i32 to index
      %swap3A_257 = arith.index_cast %scan3A_189 : i32 to index
      %swap3A_258 = arith.constant 208 : index
      %swap3A_259 = tpu.vector_load %arg5[%swap3A_256, %swap3A_257, %swap3A_258] {strides = array<i32>} : memref<1x50x1000xf32, #tpu.memory_space<vmem>>, vector<16xf32>,
      tpu.vector_store %arg5[%swap3A_256, %swap3A_257, %swap3A_258], %broadcast_in_dim3A_8 {strides = array<i32>} : memref<1x50x1000xf32, #tpu.memory_space<vmem>>, vector<16xf32>,
      %swap3A_260 = arith.constant 0 : i32
      %swap3A_261 = arith.index_cast %swap3A_260 : i32 to index
      %swap3A_262 = arith.index_cast %scan3A_189 : i32 to index
      %swap3A_263 = arith.constant 224 : index
      %swap3A_264 = tpu.vector_load %arg5[%swap3A_261, %swap3A_262, %swap3A_263] {strides = array<i32>} : memref<1x50x1000xf32, #tpu.memory_space<vmem>>, vector<16xf32>,
      tpu.vector_store %arg5[%swap3A_261, %swap3A_262, %swap3A_263], %broadcast_in_dim3A_8 {strides = array<i32>} : memref<1x50x1000xf32, #tpu.memory_space<vmem>>, vector<16xf32>,
      %swap3A_265 = arith.constant 0 : i32
      %swap3A_266 = arith.index_cast %swap3A_265 : i32 to index
      %swap3A_267 = arith.index_cast %scan3A_189 : i32 to index
      %swap3A_268 = arith.constant 240 : index
      %swap3A_269 = tpu.vector_load %arg5[%swap3A_266, %swap3A_267, %swap3A_268] {strides = array<i32>} : memref<1x50x1000xf32, #tpu.memory_space<vmem>>, vector<16xf32>,
      tpu.vector_store %arg5[%swap3A_266, %swap3A_267, %swap3A_268], %broadcast_in_dim3A_8 {strides = array<i32>} : memref<1x50x1000xf32, #tpu.memory_space<vmem>>, vector<16xf32>,
      %swap3A_270 = arith.constant 0 : i32
      %swap3A_271 = arith.index_cast %swap3A_270 : i32 to index
      %swap3A_272 = arith.index_cast %scan3A_189 : i32 to index
      %swap3A_273 = arith.constant 256 : index
      %swap3A_274 = tpu.vector_load %arg5[%swap3A_271, %swap3A_272, %swap3A_273] {strides = array<i32>} : memref<1x50x1000xf32, #tpu.memory_space<vmem>>, vector<16xf32>,
      tpu.vector_store %arg5[%swap3A_271, %swap3A_272, %swap3A_273], %broadcast_in_dim3A_8 {strides = array<i32>} : memref<1x50x1000xf32, #tpu.memory_space<vmem>>, vector<16xf32>,
      %swap3A_275 = arith.constant 0 : i32
      %swap3A_276 = arith.index_cast %swap3A_275 : i32 to index
      %swap3A_277 = arith.index_cast %scan3A_189 : i32 to index
      %swap3A_278 = arith.constant 272 : index
      %swap3A_279 = tpu.vector_load %arg5[%swap3A_276, %swap3A_277, %swap3A_278] {strides = array<i32>} : memref<1x50x1000xf32, #tpu.memory_space<vmem>>, vector<16xf32>,
      tpu.vector_store %arg5[%swap3A_276, %swap3A_277, %swap3A_278], %broadcast_in_dim3A_8 {strides = array<i32>} : memref<1x50x1000xf32, #tpu.memory_space<vmem>>, vector<16xf32>,
      %swap3A_280 = arith.constant 0 : i32
      %swap3A_281 = arith.index_cast %swap3A_280 : i32 to index
      %swap3A_282 = arith.index_cast %scan3A_189 : i32 to index
      %swap3A_283 = arith.constant 288 : index
      %swap3A_284 = tpu.vector_load %arg5[%swap3A_281, %swap3A_282, %swap3A_283] {strides = array<i32>} : memref<1x50x1000xf32, #tpu.memory_space<vmem>>, vector<16xf32>,
      tpu.vector_store %arg5[%swap3A_281, %swap3A_282, %swap3A_283], %broadcast_in_dim3A_8 {strides = array<i32>} : memref<1x50x1000xf32, #tpu.memory_space<vmem>>, vector<16xf32>,
      %swap3A_285 = arith.constant 0 : i32
      %swap3A_286 = arith.index_cast %swap3A_285 : i32 to index
      %swap3A_287 = arith.index_cast %scan3A_189 : i32 to index
      %swap3A_288 = arith.constant 304 : index
      %swap3A_289 = tpu.vector_load %arg5[%swap3A_286, %swap3A_287, %swap3A_288] {strides = array<i32>} : memref<1x50x1000xf32, #tpu.memory_space<vmem>>, vector<16xf32>,
      tpu.vector_store %arg5[%swap3A_286, %swap3A_287, %swap3A_288], %broadcast_in_dim3A_8 {strides = array<i32>} : memref<1x50x1000xf32, #tpu.memory_space<vmem>>, vector<16xf32>,
      %swap3A_290 = arith.constant 0 : i32
      %swap3A_291 = arith.index_cast %swap3A_290 : i32 to index
      %swap3A_292 = arith.index_cast %scan3A_189 : i32 to index
      %swap3A_293 = arith.constant 320 : index
      %swap3A_294 = tpu.vector_load %arg5[%swap3A_291, %swap3A_292, %swap3A_293] {strides = array<i32>} : memref<1x50x1000xf32, #tpu.memory_space<vmem>>, vector<16xf32>,
      tpu.vector_store %arg5[%swap3A_291, %swap3A_292, %swap3A_293], %broadcast_in_dim3A_8 {strides = array<i32>} : memref<1x50x1000xf32, #tpu.memory_space<vmem>>, vector<16xf32>,
      %swap3A_295 = arith.constant 0 : i32
      %swap3A_296 = arith.index_cast %swap3A_295 : i32 to index
      %swap3A_297 = arith.index_cast %scan3A_189 : i32 to index
      %swap3A_298 = arith.constant 336 : index
      %swap3A_299 = tpu.vector_load %arg5[%swap3A_296, %swap3A_297, %swap3A_298] {strides = array<i32>} : memref<1x50x1000xf32, #tpu.memory_space<vmem>>, vector<16xf32>,
      tpu.vector_store %arg5[%swap3A_296, %swap3A_297, %swap3A_298], %broadcast_in_dim3A_8 {strides = array<i32>} : memref<1x50x1000xf32, #tpu.memory_space<vmem>>, vector<16xf32>,
      %swap3A_300 = arith.constant 0 : i32
      %swap3A_301 = arith.index_cast %swap3A_300 : i32 to index
      %swap3A_302 = arith.index_cast %scan3A_189 : i32 to index
      %swap3A_303 = arith.constant 352 : index
      %swap3A_304 = tpu.vector_load %arg5[%swap3A_301, %swap3A_302, %swap3A_303] {strides = array<i32>} : memref<1x50x1000xf32, #tpu.memory_space<vmem>>, vector<16xf32>,
      tpu.vector_store %arg5[%swap3A_301, %swap3A_302, %swap3A_303], %broadcast_in_dim3A_8 {strides = array<i32>} : memref<1x50x1000xf32, #tpu.memory_space<vmem>>, vector<16xf32>,
      %swap3A_305 = arith.constant 0 : i32
      %swap3A_306 = arith.index_cast %swap3A_305 : i32 to index
      %swap3A_307 = arith.index_cast %scan3A_189 : i32 to index
      %swap3A_308 = arith.constant 368 : index
      %swap3A_309 = tpu.vector_load %arg5[%swap3A_306, %swap3A_307, %swap3A_308] {strides = array<i32>} : memref<1x50x1000xf32, #tpu.memory_space<vmem>>, vector<16xf32>,
      tpu.vector_store %arg5[%swap3A_306, %swap3A_307, %swap3A_308], %broadcast_in_dim3A_8 {strides = array<i32>} : memref<1x50x1000xf32, #tpu.memory_space<vmem>>, vector<16xf32>,
      %swap3A_310 = arith.constant 0 : i32
      %swap3A_311 = arith.index_cast %swap3A_310 : i32 to index
      %swap3A_312 = arith.index_cast %scan3A_189 : i32 to index
      %swap3A_313 = arith.constant 384 : index
      %swap3A_314 = tpu.vector_load %arg5[%swap3A_311, %swap3A_312, %swap3A_313] {strides = array<i32>} : memref<1x50x1000xf32, #tpu.memory_space<vmem>>, vector<16xf32>,
      tpu.vector_store %arg5[%swap3A_311, %swap3A_312, %swap3A_313], %broadcast_in_dim3A_8 {strides = array<i32>} : memref<1x50x1000xf32, #tpu.memory_space<vmem>>, vector<16xf32>,
      %swap3A_315 = arith.constant 0 : i32
      %swap3A_316 = arith.index_cast %swap3A_315 : i32 to index
      %swap3A_317 = arith.index_cast %scan3A_189 : i32 to index
      %swap3A_318 = arith.constant 400 : index
      %swap3A_319 = tpu.vector_load %arg5[%swap3A_316, %swap3A_317, %swap3A_318] {strides = array<i32>} : memref<1x50x1000xf32, #tpu.memory_space<vmem>>, vector<16xf32>,
      tpu.vector_store %arg5[%swap3A_316, %swap3A_317, %swap3A_318], %broadcast_in_dim3A_8 {strides = array<i32>} : memref<1x50x1000xf32, #tpu.memory_space<vmem>>, vector<16xf32>,
      %swap3A_320 = arith.constant 0 : i32
      %swap3A_321 = arith.index_cast %swap3A_320 : i32 to index
      %swap3A_322 = arith.index_cast %scan3A_189 : i32 to index
      %swap3A_323 = arith.constant 416 : index
      %swap3A_324 = tpu.vector_load %arg5[%swap3A_321, %swap3A_322, %swap3A_323] {strides = array<i32>} : memref<1x50x1000xf32, #tpu.memory_space<vmem>>, vector<16xf32>,
      tpu.vector_store %arg5[%swap3A_321, %swap3A_322, %swap3A_323], %broadcast_in_dim3A_8 {strides = array<i32>} : memref<1x50x1000xf32, #tpu.memory_space<vmem>>, vector<16xf32>,
      %swap3A_325 = arith.constant 0 : i32
      %swap3A_326 = arith.index_cast %swap3A_325 : i32 to index
      %swap3A_327 = arith.index_cast %scan3A_189 : i32 to index
      %swap3A_328 = arith.constant 432 : index
      %swap3A_329 = tpu.vector_load %arg5[%swap3A_326, %swap3A_327, %swap3A_328] {strides = array<i32>} : memref<1x50x1000xf32, #tpu.memory_space<vmem>>, vector<16xf32>,
      tpu.vector_store %arg5[%swap3A_326, %swap3A_327, %swap3A_328], %broadcast_in_dim3A_8 {strides = array<i32>} : memref<1x50x1000xf32, #tpu.memory_space<vmem>>, vector<16xf32>,
      %swap3A_330 = arith.constant 0 : i32
      %swap3A_331 = arith.index_cast %swap3A_330 : i32 to index
      %swap3A_332 = arith.index_cast %scan3A_189 : i32 to index
      %swap3A_333 = arith.constant 448 : index
      %swap3A_334 = tpu.vector_load %arg5[%swap3A_331, %swap3A_332, %swap3A_333] {strides = array<i32>} : memref<1x50x1000xf32, #tpu.memory_space<vmem>>, vector<16xf32>,
      tpu.vector_store %arg5[%swap3A_331, %swap3A_332, %swap3A_333], %broadcast_in_dim3A_8 {strides = array<i32>} : memref<1x50x1000xf32, #tpu.memory_space<vmem>>, vector<16xf32>,
      %swap3A_335 = arith.constant 0 : i32
      %swap3A_336 = arith.index_cast %swap3A_335 : i32 to index
      %swap3A_337 = arith.index_cast %scan3A_189 : i32 to index
      %swap3A_338 = arith.constant 464 : index
      %swap3A_339 = tpu.vector_load %arg5[%swap3A_336, %swap3A_337, %swap3A_338] {strides = array<i32>} : memref<1x50x1000xf32, #tpu.memory_space<vmem>>, vector<16xf32>,
      tpu.vector_store %arg5[%swap3A_336, %swap3A_337, %swap3A_338], %broadcast_in_dim3A_8 {strides = array<i32>} : memref<1x50x1000xf32, #tpu.memory_space<vmem>>, vector<16xf32>,
      %swap3A_340 = arith.constant 0 : i32
      %swap3A_341 = arith.index_cast %swap3A_340 : i32 to index
      %swap3A_342 = arith.index_cast %scan3A_189 : i32 to index
      %swap3A_343 = arith.constant 480 : index
      %swap3A_344 = tpu.vector_load %arg5[%swap3A_341, %swap3A_342, %swap3A_343] {strides = array<i32>} : memref<1x50x1000xf32, #tpu.memory_space<vmem>>, vector<16xf32>,
      tpu.vector_store %arg5[%swap3A_341, %swap3A_342, %swap3A_343], %broadcast_in_dim3A_8 {strides = array<i32>} : memref<1x50x1000xf32, #tpu.memory_space<vmem>>, vector<16xf32>,
      %swap3A_345 = arith.constant 0 : i32
      %swap3A_346 = arith.index_cast %swap3A_345 : i32 to index
      %swap3A_347 = arith.index_cast %scan3A_189 : i32 to index
      %swap3A_348 = arith.constant 496 : index
      %swap3A_349 = tpu.vector_load %arg5[%swap3A_346, %swap3A_347, %swap3A_348] {strides = array<i32>} : memref<1x50x1000xf32, #tpu.memory_space<vmem>>, vector<16xf32>,
      tpu.vector_store %arg5[%swap3A_346, %swap3A_347, %swap3A_348], %broadcast_in_dim3A_8 {strides = array<i32>} : memref<1x50x1000xf32, #tpu.memory_space<vmem>>, vector<16xf32>,
      %swap3A_350 = arith.constant 0 : i32
      %swap3A_351 = arith.index_cast %swap3A_350 : i32 to index
      %swap3A_352 = arith.index_cast %scan3A_189 : i32 to index
      %swap3A_353 = arith.constant 512 : index
      %swap3A_354 = tpu.vector_load %arg5[%swap3A_351, %swap3A_352, %swap3A_353] {strides = array<i32>} : memref<1x50x1000xf32, #tpu.memory_space<vmem>>, vector<16xf32>,
      tpu.vector_store %arg5[%swap3A_351, %swap3A_352, %swap3A_353], %broadcast_in_dim3A_8 {strides = array<i32>} : memref<1x50x1000xf32, #tpu.memory_space<vmem>>, vector<16xf32>,
      %swap3A_355 = arith.constant 0 : i32
      %swap3A_356 = arith.index_cast %swap3A_355 : i32 to index
      %swap3A_357 = arith.index_cast %scan3A_189 : i32 to index
      %swap3A_358 = arith.constant 528 : index
      %swap3A_359 = tpu.vector_load %arg5[%swap3A_356, %swap3A_357, %swap3A_358] {strides = array<i32>} : memref<1x50x1000xf32, #tpu.memory_space<vmem>>, vector<16xf32>,
      tpu.vector_store %arg5[%swap3A_356, %swap3A_357, %swap3A_358], %broadcast_in_dim3A_8 {strides = array<i32>} : memref<1x50x1000xf32, #tpu.memory_space<vmem>>, vector<16xf32>,
      %swap3A_360 = arith.constant 0 : i32
      %swap3A_361 = arith.index_cast %swap3A_360 : i32 to index
      %swap3A_362 = arith.index_cast %scan3A_189 : i32 to index
      %swap3A_363 = arith.constant 544 : index
      %swap3A_364 = tpu.vector_load %arg5[%swap3A_361, %swap3A_362, %swap3A_363] {strides = array<i32>} : memref<1x50x1000xf32, #tpu.memory_space<vmem>>, vector<16xf32>,
      tpu.vector_store %arg5[%swap3A_361, %swap3A_362, %swap3A_363], %broadcast_in_dim3A_8 {strides = array<i32>} : memref<1x50x1000xf32, #tpu.memory_space<vmem>>, vector<16xf32>,
      %swap3A_365 = arith.constant 0 : i32
      %swap3A_366 = arith.index_cast %swap3A_365 : i32 to index
      %swap3A_367 = arith.index_cast %scan3A_189 : i32 to index
      %swap3A_368 = arith.constant 560 : index
      %swap3A_369 = tpu.vector_load %arg5[%swap3A_366, %swap3A_367, %swap3A_368] {strides = array<i32>} : memref<1x50x1000xf32, #tpu.memory_space<vmem>>, vector<16xf32>,
      tpu.vector_store %arg5[%swap3A_366, %swap3A_367, %swap3A_368], %broadcast_in_dim3A_8 {strides = array<i32>} : memref<1x50x1000xf32, #tpu.memory_space<vmem>>, vector<16xf32>,
      %swap3A_370 = arith.constant 0 : i32
      %swap3A_371 = arith.index_cast %swap3A_370 : i32 to index
      %swap3A_372 = arith.index_cast %scan3A_189 : i32 to index
      %swap3A_373 = arith.constant 576 : index
      %swap3A_374 = tpu.vector_load %arg5[%swap3A_371, %swap3A_372, %swap3A_373] {strides = array<i32>} : memref<1x50x1000xf32, #tpu.memory_space<vmem>>, vector<16xf32>,
      tpu.vector_store %arg5[%swap3A_371, %swap3A_372, %swap3A_373], %broadcast_in_dim3A_8 {strides = array<i32>} : memref<1x50x1000xf32, #tpu.memory_space<vmem>>, vector<16xf32>,
      %swap3A_375 = arith.constant 0 : i32
      %swap3A_376 = arith.index_cast %swap3A_375 : i32 to index
      %swap3A_377 = arith.index_cast %scan3A_189 : i32 to index
      %swap3A_378 = arith.constant 592 : index
      %swap3A_379 = tpu.vector_load %arg5[%swap3A_376, %swap3A_377, %swap3A_378] {strides = array<i32>} : memref<1x50x1000xf32, #tpu.memory_space<vmem>>, vector<16xf32>,
      tpu.vector_store %arg5[%swap3A_376, %swap3A_377, %swap3A_378], %broadcast_in_dim3A_8 {strides = array<i32>} : memref<1x50x1000xf32, #tpu.memory_space<vmem>>, vector<16xf32>,
      %swap3A_380 = arith.constant 0 : i32
      %swap3A_381 = arith.index_cast %swap3A_380 : i32 to index
      %swap3A_382 = arith.index_cast %scan3A_189 : i32 to index
      %swap3A_383 = arith.constant 608 : index
      %swap3A_384 = tpu.vector_load %arg5[%swap3A_381, %swap3A_382, %swap3A_383] {strides = array<i32>} : memref<1x50x1000xf32, #tpu.memory_space<vmem>>, vector<16xf32>,
      tpu.vector_store %arg5[%swap3A_381, %swap3A_382, %swap3A_383], %broadcast_in_dim3A_8 {strides = array<i32>} : memref<1x50x1000xf32, #tpu.memory_space<vmem>>, vector<16xf32>,
      %swap3A_385 = arith.constant 0 : i32
      %swap3A_386 = arith.index_cast %swap3A_385 : i32 to index
      %swap3A_387 = arith.index_cast %scan3A_189 : i32 to index
      %swap3A_388 = arith.constant 624 : index
      %swap3A_389 = tpu.vector_load %arg5[%swap3A_386, %swap3A_387, %swap3A_388] {strides = array<i32>} : memref<1x50x1000xf32, #tpu.memory_space<vmem>>, vector<16xf32>,
      tpu.vector_store %arg5[%swap3A_386, %swap3A_387, %swap3A_388], %broadcast_in_dim3A_8 {strides = array<i32>} : memref<1x50x1000xf32, #tpu.memory_space<vmem>>, vector<16xf32>,
      %swap3A_390 = arith.constant 0 : i32
      %swap3A_391 = arith.index_cast %swap3A_390 : i32 to index
      %swap3A_392 = arith.index_cast %scan3A_189 : i32 to index
      %swap3A_393 = arith.constant 640 : index
      %swap3A_394 = tpu.vector_load %arg5[%swap3A_391, %swap3A_392, %swap3A_393] {strides = array<i32>} : memref<1x50x1000xf32, #tpu.memory_space<vmem>>, vector<16xf32>,
      tpu.vector_store %arg5[%swap3A_391, %swap3A_392, %swap3A_393], %broadcast_in_dim3A_8 {strides = array<i32>} : memref<1x50x1000xf32, #tpu.memory_space<vmem>>, vector<16xf32>,
      %swap3A_395 = arith.constant 0 : i32
      %swap3A_396 = arith.index_cast %swap3A_395 : i32 to index
      %swap3A_397 = arith.index_cast %scan3A_189 : i32 to index
      %swap3A_398 = arith.constant 656 : index
      %swap3A_399 = tpu.vector_load %arg5[%swap3A_396, %swap3A_397, %swap3A_398] {strides = array<i32>} : memref<1x50x1000xf32, #tpu.memory_space<vmem>>, vector<16xf32>,
      tpu.vector_store %arg5[%swap3A_396, %swap3A_397, %swap3A_398], %broadcast_in_dim3A_8 {strides = array<i32>} : memref<1x50x1000xf32, #tpu.memory_space<vmem>>, vector<16xf32>,
      %swap3A_400 = arith.constant 0 : i32
      %swap3A_401 = arith.index_cast %swap3A_400 : i32 to index
      %swap3A_402 = arith.index_cast %scan3A_189 : i32 to index
      %swap3A_403 = arith.constant 672 : index
      %swap3A_404 = tpu.vector_load %arg5[%swap3A_401, %swap3A_402, %swap3A_403] {strides = array<i32>} : memref<1x50x1000xf32, #tpu.memory_space<vmem>>, vector<16xf32>,
      tpu.vector_store %arg5[%swap3A_401, %swap3A_402, %swap3A_403], %broadcast_in_dim3A_8 {strides = array<i32>} : memref<1x50x1000xf32, #tpu.memory_space<vmem>>, vector<16xf32>,
      %swap3A_405 = arith.constant 0 : i32
      %swap3A_406 = arith.index_cast %swap3A_405 : i32 to index
      %swap3A_407 = arith.index_cast %scan3A_189 : i32 to index
      %swap3A_408 = arith.constant 688 : index
      %swap3A_409 = tpu.vector_load %arg5[%swap3A_406, %swap3A_407, %swap3A_408] {strides = array<i32>} : memref<1x50x1000xf32, #tpu.memory_space<vmem>>, vector<16xf32>,
      tpu.vector_store %arg5[%swap3A_406, %swap3A_407, %swap3A_408], %broadcast_in_dim3A_8 {strides = array<i32>} : memref<1x50x1000xf32, #tpu.memory_space<vmem>>, vector<16xf32>,
      %swap3A_410 = arith.constant 0 : i32
      %swap3A_411 = arith.index_cast %swap3A_410 : i32 to index
      %swap3A_412 = arith.index_cast %scan3A_189 : i32 to index
      %swap3A_413 = arith.constant 704 : index
      %swap3A_414 = tpu.vector_load %arg5[%swap3A_411, %swap3A_412, %swap3A_413] {strides = array<i32>} : memref<1x50x1000xf32, #tpu.memory_space<vmem>>, vector<16xf32>,
      tpu.vector_store %arg5[%swap3A_411, %swap3A_412, %swap3A_413], %broadcast_in_dim3A_8 {strides = array<i32>} : memref<1x50x1000xf32, #tpu.memory_space<vmem>>, vector<16xf32>,
      %swap3A_415 = arith.constant 0 : i32
      %swap3A_416 = arith.index_cast %swap3A_415 : i32 to index
      %swap3A_417 = arith.index_cast %scan3A_189 : i32 to index
      %swap3A_418 = arith.constant 720 : index
      %swap3A_419 = tpu.vector_load %arg5[%swap3A_416, %swap3A_417, %swap3A_418] {strides = array<i32>} : memref<1x50x1000xf32, #tpu.memory_space<vmem>>, vector<16xf32>,
      tpu.vector_store %arg5[%swap3A_416, %swap3A_417, %swap3A_418], %broadcast_in_dim3A_8 {strides = array<i32>} : memref<1x50x1000xf32, #tpu.memory_space<vmem>>, vector<16xf32>,
      %swap3A_420 = arith.constant 0 : i32
      %swap3A_421 = arith.index_cast %swap3A_420 : i32 to index
      %swap3A_422 = arith.index_cast %scan3A_189 : i32 to index
      %swap3A_423 = arith.constant 736 : index
      %swap3A_424 = tpu.vector_load %arg5[%swap3A_421, %swap3A_422, %swap3A_423] {strides = array<i32>} : memref<1x50x1000xf32, #tpu.memory_space<vmem>>, vector<16xf32>,
      tpu.vector_store %arg5[%swap3A_421, %swap3A_422, %swap3A_423], %broadcast_in_dim3A_8 {strides = array<i32>} : memref<1x50x1000xf32, #tpu.memory_space<vmem>>, vector<16xf32>,
      %swap3A_425 = arith.constant 0 : i32
      %swap3A_426 = arith.index_cast %swap3A_425 : i32 to index
      %swap3A_427 = arith.index_cast %scan3A_189 : i32 to index
      %swap3A_428 = arith.constant 752 : index
      %swap3A_429 = tpu.vector_load %arg5[%swap3A_426, %swap3A_427, %swap3A_428] {strides = array<i32>} : memref<1x50x1000xf32, #tpu.memory_space<vmem>>, vector<16xf32>,
      tpu.vector_store %arg5[%swap3A_426, %swap3A_427, %swap3A_428], %broadcast_in_dim3A_8 {strides = array<i32>} : memref<1x50x1000xf32, #tpu.memory_space<vmem>>, vector<16xf32>,
      %swap3A_430 = arith.constant 0 : i32
      %swap3A_431 = arith.index_cast %swap3A_430 : i32 to index
      %swap3A_432 = arith.index_cast %scan3A_189 : i32 to index
      %swap3A_433 = arith.constant 768 : index
      %swap3A_434 = tpu.vector_load %arg5[%swap3A_431, %swap3A_432, %swap3A_433] {strides = array<i32>} : memref<1x50x1000xf32, #tpu.memory_space<vmem>>, vector<16xf32>,
      tpu.vector_store %arg5[%swap3A_431, %swap3A_432, %swap3A_433], %broadcast_in_dim3A_8 {strides = array<i32>} : memref<1x50x1000xf32, #tpu.memory_space<vmem>>, vector<16xf32>,
      %swap3A_435 = arith.constant 0 : i32
      %swap3A_436 = arith.index_cast %swap3A_435 : i32 to index
      %swap3A_437 = arith.index_cast %scan3A_189 : i32 to index
      %swap3A_438 = arith.constant 784 : index
      %swap3A_439 = tpu.vector_load %arg5[%swap3A_436, %swap3A_437, %swap3A_438] {strides = array<i32>} : memref<1x50x1000xf32, #tpu.memory_space<vmem>>, vector<16xf32>,
      tpu.vector_store %arg5[%swap3A_436, %swap3A_437, %swap3A_438], %broadcast_in_dim3A_8 {strides = array<i32>} : memref<1x50x1000xf32, #tpu.memory_space<vmem>>, vector<16xf32>,
      %swap3A_440 = arith.constant 0 : i32
      %swap3A_441 = arith.index_cast %swap3A_440 : i32 to index
      %swap3A_442 = arith.index_cast %scan3A_189 : i32 to index
      %swap3A_443 = arith.constant 800 : index
      %swap3A_444 = tpu.vector_load %arg5[%swap3A_441, %swap3A_442, %swap3A_443] {strides = array<i32>} : memref<1x50x1000xf32, #tpu.memory_space<vmem>>, vector<16xf32>,
      tpu.vector_store %arg5[%swap3A_441, %swap3A_442, %swap3A_443], %broadcast_in_dim3A_8 {strides = array<i32>} : memref<1x50x1000xf32, #tpu.memory_space<vmem>>, vector<16xf32>,
      %swap3A_445 = arith.constant 0 : i32
      %swap3A_446 = arith.index_cast %swap3A_445 : i32 to index
      %swap3A_447 = arith.index_cast %scan3A_189 : i32 to index
      %swap3A_448 = arith.constant 816 : index
      %swap3A_449 = tpu.vector_load %arg5[%swap3A_446, %swap3A_447, %swap3A_448] {strides = array<i32>} : memref<1x50x1000xf32, #tpu.memory_space<vmem>>, vector<16xf32>,
      tpu.vector_store %arg5[%swap3A_446, %swap3A_447, %swap3A_448], %broadcast_in_dim3A_8 {strides = array<i32>} : memref<1x50x1000xf32, #tpu.memory_space<vmem>>, vector<16xf32>,
      %swap3A_450 = arith.constant 0 : i32
      %swap3A_451 = arith.index_cast %swap3A_450 : i32 to index
      %swap3A_452 = arith.index_cast %scan3A_189 : i32 to index
      %swap3A_453 = arith.constant 832 : index
      %swap3A_454 = tpu.vector_load %arg5[%swap3A_451, %swap3A_452, %swap3A_453] {strides = array<i32>} : memref<1x50x1000xf32, #tpu.memory_space<vmem>>, vector<16xf32>,
      tpu.vector_store %arg5[%swap3A_451, %swap3A_452, %swap3A_453], %broadcast_in_dim3A_8 {strides = array<i32>} : memref<1x50x1000xf32, #tpu.memory_space<vmem>>, vector<16xf32>,
      %swap3A_455 = arith.constant 0 : i32
      %swap3A_456 = arith.index_cast %swap3A_455 : i32 to index
      %swap3A_457 = arith.index_cast %scan3A_189 : i32 to index
      %swap3A_458 = arith.constant 848 : index
      %swap3A_459 = tpu.vector_load %arg5[%swap3A_456, %swap3A_457, %swap3A_458] {strides = array<i32>} : memref<1x50x1000xf32, #tpu.memory_space<vmem>>, vector<16xf32>,
      tpu.vector_store %arg5[%swap3A_456, %swap3A_457, %swap3A_458], %broadcast_in_dim3A_8 {strides = array<i32>} : memref<1x50x1000xf32, #tpu.memory_space<vmem>>, vector<16xf32>,
      %swap3A_460 = arith.constant 0 : i32
      %swap3A_461 = arith.index_cast %swap3A_460 : i32 to index
      %swap3A_462 = arith.index_cast %scan3A_189 : i32 to index
      %swap3A_463 = arith.constant 864 : index
      %swap3A_464 = tpu.vector_load %arg5[%swap3A_461, %swap3A_462, %swap3A_463] {strides = array<i32>} : memref<1x50x1000xf32, #tpu.memory_space<vmem>>, vector<16xf32>,
      tpu.vector_store %arg5[%swap3A_461, %swap3A_462, %swap3A_463], %broadcast_in_dim3A_8 {strides = array<i32>} : memref<1x50x1000xf32, #tpu.memory_space<vmem>>, vector<16xf32>,
      %swap3A_465 = arith.constant 0 : i32
      %swap3A_466 = arith.index_cast %swap3A_465 : i32 to index
      %swap3A_467 = arith.index_cast %scan3A_189 : i32 to index
      %swap3A_468 = arith.constant 880 : index
      %swap3A_469 = tpu.vector_load %arg5[%swap3A_466, %swap3A_467, %swap3A_468] {strides = array<i32>} : memref<1x50x1000xf32, #tpu.memory_space<vmem>>, vector<16xf32>,
      tpu.vector_store %arg5[%swap3A_466, %swap3A_467, %swap3A_468], %broadcast_in_dim3A_8 {strides = array<i32>} : memref<1x50x1000xf32, #tpu.memory_space<vmem>>, vector<16xf32>,
      %swap3A_470 = arith.constant 0 : i32
      %swap3A_471 = arith.index_cast %swap3A_470 : i32 to index
      %swap3A_472 = arith.index_cast %scan3A_189 : i32 to index
      %swap3A_473 = arith.constant 896 : index
      %swap3A_474 = tpu.vector_load %arg5[%swap3A_471, %swap3A_472, %swap3A_473] {strides = array<i32>} : memref<1x50x1000xf32, #tpu.memory_space<vmem>>, vector<16xf32>,
      tpu.vector_store %arg5[%swap3A_471, %swap3A_472, %swap3A_473], %broadcast_in_dim3A_8 {strides = array<i32>} : memref<1x50x1000xf32, #tpu.memory_space<vmem>>, vector<16xf32>,
      %swap3A_475 = arith.constant 0 : i32
      %swap3A_476 = arith.index_cast %swap3A_475 : i32 to index
      %swap3A_477 = arith.index_cast %scan3A_189 : i32 to index
      %swap3A_478 = arith.constant 912 : index
      %swap3A_479 = tpu.vector_load %arg5[%swap3A_476, %swap3A_477, %swap3A_478] {strides = array<i32>} : memref<1x50x1000xf32, #tpu.memory_space<vmem>>, vector<16xf32>,
      tpu.vector_store %arg5[%swap3A_476, %swap3A_477, %swap3A_478], %broadcast_in_dim3A_8 {strides = array<i32>} : memref<1x50x1000xf32, #tpu.memory_space<vmem>>, vector<16xf32>,
      %swap3A_480 = arith.constant 0 : i32
      %swap3A_481 = arith.index_cast %swap3A_480 : i32 to index
      %swap3A_482 = arith.index_cast %scan3A_189 : i32 to index
      %swap3A_483 = arith.constant 928 : index
      %swap3A_484 = tpu.vector_load %arg5[%swap3A_481, %swap3A_482, %swap3A_483] {strides = array<i32>} : memref<1x50x1000xf32, #tpu.memory_space<vmem>>, vector<16xf32>,
      tpu.vector_store %arg5[%swap3A_481, %swap3A_482, %swap3A_483], %broadcast_in_dim3A_8 {strides = array<i32>} : memref<1x50x1000xf32, #tpu.memory_space<vmem>>, vector<16xf32>,
      %swap3A_485 = arith.constant 0 : i32
      %swap3A_486 = arith.index_cast %swap3A_485 : i32 to index
      %swap3A_487 = arith.index_cast %scan3A_189 : i32 to index
      %swap3A_488 = arith.constant 944 : index
      %swap3A_489 = tpu.vector_load %arg5[%swap3A_486, %swap3A_487, %swap3A_488] {strides = array<i32>} : memref<1x50x1000xf32, #tpu.memory_space<vmem>>, vector<16xf32>,
      tpu.vector_store %arg5[%swap3A_486, %swap3A_487, %swap3A_488], %broadcast_in_dim3A_8 {strides = array<i32>} : memref<1x50x1000xf32, #tpu.memory_space<vmem>>, vector<16xf32>,
      %swap3A_490 = arith.constant 0 : i32
      %swap3A_491 = arith.index_cast %swap3A_490 : i32 to index
      %swap3A_492 = arith.index_cast %scan3A_189 : i32 to index
      %swap3A_493 = arith.constant 960 : index
      %swap3A_494 = tpu.vector_load %arg5[%swap3A_491, %swap3A_492, %swap3A_493] {strides = array<i32>} : memref<1x50x1000xf32, #tpu.memory_space<vmem>>, vector<16xf32>,
      tpu.vector_store %arg5[%swap3A_491, %swap3A_492, %swap3A_493], %broadcast_in_dim3A_8 {strides = array<i32>} : memref<1x50x1000xf32, #tpu.memory_space<vmem>>, vector<16xf32>,
      %swap3A_495 = arith.constant 0 : i32
      %swap3A_496 = arith.index_cast %swap3A_495 : i32 to index
      %swap3A_497 = arith.index_cast %scan3A_189 : i32 to index
      %swap3A_498 = arith.constant 976 : index
      %swap3A_499 = tpu.vector_load %arg5[%swap3A_496, %swap3A_497, %swap3A_498] {strides = array<i32>} : memref<1x50x1000xf32, #tpu.memory_space<vmem>>, vector<16xf32>,
      tpu.vector_store %arg5[%swap3A_496, %swap3A_497, %swap3A_498], %broadcast_in_dim3A_8 {strides = array<i32>} : memref<1x50x1000xf32, #tpu.memory_space<vmem>>, vector<16xf32>,
      %swap3A_500 = arith.constant 0 : i32
      %swap3A_501 = arith.index_cast %swap3A_500 : i32 to index
      %swap3A_502 = arith.index_cast %scan3A_189 : i32 to index
      %swap3A_503 = arith.constant 984 : index
      %swap3A_504 = tpu.vector_load %arg5[%swap3A_501, %swap3A_502, %swap3A_503] {strides = array<i32>} : memref<1x50x1000xf32, #tpu.memory_space<vmem>>, vector<16xf32>,
      tpu.vector_store %arg5[%swap3A_501, %swap3A_502, %swap3A_503], %broadcast_in_dim3A_8 {strides = array<i32>} : memref<1x50x1000xf32, #tpu.memory_space<vmem>>, vector<16xf32>,
      %swap3A_505 = arith.constant 0 : i32
      %swap3A_506 = arith.index_cast %swap3A_505 : i32 to index
      %swap3A_507 = arith.index_cast %scan3A_189 : i32 to index
      %swap3A_508 = arith.constant 0 : index
      %swap3A_509 = tpu.vector_load %arg6[%swap3A_506, %swap3A_507, %swap3A_508] {strides = array<i32>} : memref<1x50x1000xf32, #tpu.memory_space<vmem>>, vector<16xf32>,
      tpu.vector_store %arg6[%swap3A_506, %swap3A_507, %swap3A_508], %broadcast_in_dim3A_8 {strides = array<i32>} : memref<1x50x1000xf32, #tpu.memory_space<vmem>>, vector<16xf32>,
      %swap3A_510 = arith.constant 0 : i32
      %swap3A_511 = arith.index_cast %swap3A_510 : i32 to index
      %swap3A_512 = arith.index_cast %scan3A_189 : i32 to index
      %swap3A_513 = arith.constant 16 : index
      %swap3A_514 = tpu.vector_load %arg6[%swap3A_511, %swap3A_512, %swap3A_513] {strides = array<i32>} : memref<1x50x1000xf32, #tpu.memory_space<vmem>>, vector<16xf32>,
      tpu.vector_store %arg6[%swap3A_511, %swap3A_512, %swap3A_513], %broadcast_in_dim3A_8 {strides = array<i32>} : memref<1x50x1000xf32, #tpu.memory_space<vmem>>, vector<16xf32>,
      %swap3A_515 = arith.constant 0 : i32
      %swap3A_516 = arith.index_cast %swap3A_515 : i32 to index
      %swap3A_517 = arith.index_cast %scan3A_189 : i32 to index
      %swap3A_518 = arith.constant 32 : index
      %swap3A_519 = tpu.vector_load %arg6[%swap3A_516, %swap3A_517, %swap3A_518] {strides = array<i32>} : memref<1x50x1000xf32, #tpu.memory_space<vmem>>, vector<16xf32>,
      tpu.vector_store %arg6[%swap3A_516, %swap3A_517, %swap3A_518], %broadcast_in_dim3A_8 {strides = array<i32>} : memref<1x50x1000xf32, #tpu.memory_space<vmem>>, vector<16xf32>,
      %swap3A_520 = arith.constant 0 : i32
      %swap3A_521 = arith.index_cast %swap3A_520 : i32 to index
      %swap3A_522 = arith.index_cast %scan3A_189 : i32 to index
      %swap3A_523 = arith.constant 48 : index
      %swap3A_524 = tpu.vector_load %arg6[%swap3A_521, %swap3A_522, %swap3A_523] {strides = array<i32>} : memref<1x50x1000xf32, #tpu.memory_space<vmem>>, vector<16xf32>,
      tpu.vector_store %arg6[%swap3A_521, %swap3A_522, %swap3A_523], %broadcast_in_dim3A_8 {strides = array<i32>} : memref<1x50x1000xf32, #tpu.memory_space<vmem>>, vector<16xf32>,
      %swap3A_525 = arith.constant 0 : i32
      %swap3A_526 = arith.index_cast %swap3A_525 : i32 to index
      %swap3A_527 = arith.index_cast %scan3A_189 : i32 to index
      %swap3A_528 = arith.constant 64 : index
      %swap3A_529 = tpu.vector_load %arg6[%swap3A_526, %swap3A_527, %swap3A_528] {strides = array<i32>} : memref<1x50x1000xf32, #tpu.memory_space<vmem>>, vector<16xf32>,
      tpu.vector_store %arg6[%swap3A_526, %swap3A_527, %swap3A_528], %broadcast_in_dim3A_8 {strides = array<i32>} : memref<1x50x1000xf32, #tpu.memory_space<vmem>>, vector<16xf32>,
      %swap3A_530 = arith.constant 0 : i32
      %swap3A_531 = arith.index_cast %swap3A_530 : i32 to index
      %swap3A_532 = arith.index_cast %scan3A_189 : i32 to index
      %swap3A_533 = arith.constant 80 : index
      %swap3A_534 = tpu.vector_load %arg6[%swap3A_531, %swap3A_532, %swap3A_533] {strides = array<i32>} : memref<1x50x1000xf32, #tpu.memory_space<vmem>>, vector<16xf32>,
      tpu.vector_store %arg6[%swap3A_531, %swap3A_532, %swap3A_533], %broadcast_in_dim3A_8 {strides = array<i32>} : memref<1x50x1000xf32, #tpu.memory_space<vmem>>, vector<16xf32>,
      %swap3A_535 = arith.constant 0 : i32
      %swap3A_536 = arith.index_cast %swap3A_535 : i32 to index
      %swap3A_537 = arith.index_cast %scan3A_189 : i32 to index
      %swap3A_538 = arith.constant 96 : index
      %swap3A_539 = tpu.vector_load %arg6[%swap3A_536, %swap3A_537, %swap3A_538] {strides = array<i32>} : memref<1x50x1000xf32, #tpu.memory_space<vmem>>, vector<16xf32>,
      tpu.vector_store %arg6[%swap3A_536, %swap3A_537, %swap3A_538], %broadcast_in_dim3A_8 {strides = array<i32>} : memref<1x50x1000xf32, #tpu.memory_space<vmem>>, vector<16xf32>,
      %swap3A_540 = arith.constant 0 : i32
      %swap3A_541 = arith.index_cast %swap3A_540 : i32 to index
      %swap3A_542 = arith.index_cast %scan3A_189 : i32 to index
      %swap3A_543 = arith.constant 112 : index
      %swap3A_544 = tpu.vector_load %arg6[%swap3A_541, %swap3A_542, %swap3A_543] {strides = array<i32>} : memref<1x50x1000xf32, #tpu.memory_space<vmem>>, vector<16xf32>,
      tpu.vector_store %arg6[%swap3A_541, %swap3A_542, %swap3A_543], %broadcast_in_dim3A_8 {strides = array<i32>} : memref<1x50x1000xf32, #tpu.memory_space<vmem>>, vector<16xf32>,
      %swap3A_545 = arith.constant 0 : i32
      %swap3A_546 = arith.index_cast %swap3A_545 : i32 to index
      %swap3A_547 = arith.index_cast %scan3A_189 : i32 to index
      %swap3A_548 = arith.constant 128 : index
      %swap3A_549 = tpu.vector_load %arg6[%swap3A_546, %swap3A_547, %swap3A_548] {strides = array<i32>} : memref<1x50x1000xf32, #tpu.memory_space<vmem>>, vector<16xf32>,
      tpu.vector_store %arg6[%swap3A_546, %swap3A_547, %swap3A_548], %broadcast_in_dim3A_8 {strides = array<i32>} : memref<1x50x1000xf32, #tpu.memory_space<vmem>>, vector<16xf32>,
      %swap3A_550 = arith.constant 0 : i32
      %swap3A_551 = arith.index_cast %swap3A_550 : i32 to index
      %swap3A_552 = arith.index_cast %scan3A_189 : i32 to index
      %swap3A_553 = arith.constant 144 : index
      %swap3A_554 = tpu.vector_load %arg6[%swap3A_551, %swap3A_552, %swap3A_553] {strides = array<i32>} : memref<1x50x1000xf32, #tpu.memory_space<vmem>>, vector<16xf32>,
      tpu.vector_store %arg6[%swap3A_551, %swap3A_552, %swap3A_553], %broadcast_in_dim3A_8 {strides = array<i32>} : memref<1x50x1000xf32, #tpu.memory_space<vmem>>, vector<16xf32>,
      %swap3A_555 = arith.constant 0 : i32
      %swap3A_556 = arith.index_cast %swap3A_555 : i32 to index
      %swap3A_557 = arith.index_cast %scan3A_189 : i32 to index
      %swap3A_558 = arith.constant 160 : index
      %swap3A_559 = tpu.vector_load %arg6[%swap3A_556, %swap3A_557, %swap3A_558] {strides = array<i32>} : memref<1x50x1000xf32, #tpu.memory_space<vmem>>, vector<16xf32>,
      tpu.vector_store %arg6[%swap3A_556, %swap3A_557, %swap3A_558], %broadcast_in_dim3A_8 {strides = array<i32>} : memref<1x50x1000xf32, #tpu.memory_space<vmem>>, vector<16xf32>,
      %swap3A_560 = arith.constant 0 : i32
      %swap3A_561 = arith.index_cast %swap3A_560 : i32 to index
      %swap3A_562 = arith.index_cast %scan3A_189 : i32 to index
      %swap3A_563 = arith.constant 176 : index
      %swap3A_564 = tpu.vector_load %arg6[%swap3A_561, %swap3A_562, %swap3A_563] {strides = array<i32>} : memref<1x50x1000xf32, #tpu.memory_space<vmem>>, vector<16xf32>,
      tpu.vector_store %arg6[%swap3A_561, %swap3A_562, %swap3A_563], %broadcast_in_dim3A_8 {strides = array<i32>} : memref<1x50x1000xf32, #tpu.memory_space<vmem>>, vector<16xf32>,
      %swap3A_565 = arith.constant 0 : i32
      %swap3A_566 = arith.index_cast %swap3A_565 : i32 to index
      %swap3A_567 = arith.index_cast %scan3A_189 : i32 to index
      %swap3A_568 = arith.constant 192 : index
      %swap3A_569 = tpu.vector_load %arg6[%swap3A_566, %swap3A_567, %swap3A_568] {strides = array<i32>} : memref<1x50x1000xf32, #tpu.memory_space<vmem>>, vector<16xf32>,
      tpu.vector_store %arg6[%swap3A_566, %swap3A_567, %swap3A_568], %broadcast_in_dim3A_8 {strides = array<i32>} : memref<1x50x1000xf32, #tpu.memory_space<vmem>>, vector<16xf32>,
      %swap3A_570 = arith.constant 0 : i32
      %swap3A_571 = arith.index_cast %swap3A_570 : i32 to index
      %swap3A_572 = arith.index_cast %scan3A_189 : i32 to index
      %swap3A_573 = arith.constant 208 : index
      %swap3A_574 = tpu.vector_load %arg6[%swap3A_571, %swap3A_572, %swap3A_573] {strides = array<i32>} : memref<1x50x1000xf32, #tpu.memory_space<vmem>>, vector<16xf32>,
      tpu.vector_store %arg6[%swap3A_571, %swap3A_572, %swap3A_573], %broadcast_in_dim3A_8 {strides = array<i32>} : memref<1x50x1000xf32, #tpu.memory_space<vmem>>, vector<16xf32>,
      %swap3A_575 = arith.constant 0 : i32
      %swap3A_576 = arith.index_cast %swap3A_575 : i32 to index
      %swap3A_577 = arith.index_cast %scan3A_189 : i32 to index
      %swap3A_578 = arith.constant 224 : index
      %swap3A_579 = tpu.vector_load %arg6[%swap3A_576, %swap3A_577, %swap3A_578] {strides = array<i32>} : memref<1x50x1000xf32, #tpu.memory_space<vmem>>, vector<16xf32>,
      tpu.vector_store %arg6[%swap3A_576, %swap3A_577, %swap3A_578], %broadcast_in_dim3A_8 {strides = array<i32>} : memref<1x50x1000xf32, #tpu.memory_space<vmem>>, vector<16xf32>,
      %swap3A_580 = arith.constant 0 : i32
      %swap3A_581 = arith.index_cast %swap3A_580 : i32 to index
      %swap3A_582 = arith.index_cast %scan3A_189 : i32 to index
      %swap3A_583 = arith.constant 240 : index
      %swap3A_584 = tpu.vector_load %arg6[%swap3A_581, %swap3A_582, %swap3A_583] {strides = array<i32>} : memref<1x50x1000xf32, #tpu.memory_space<vmem>>, vector<16xf32>,
      tpu.vector_store %arg6[%swap3A_581, %swap3A_582, %swap3A_583], %broadcast_in_dim3A_8 {strides = array<i32>} : memref<1x50x1000xf32, #tpu.memory_space<vmem>>, vector<16xf32>,
      %swap3A_585 = arith.constant 0 : i32
      %swap3A_586 = arith.index_cast %swap3A_585 : i32 to index
      %swap3A_587 = arith.index_cast %scan3A_189 : i32 to index
      %swap3A_588 = arith.constant 256 : index
      %swap3A_589 = tpu.vector_load %arg6[%swap3A_586, %swap3A_587, %swap3A_588] {strides = array<i32>} : memref<1x50x1000xf32, #tpu.memory_space<vmem>>, vector<16xf32>,
      tpu.vector_store %arg6[%swap3A_586, %swap3A_587, %swap3A_588], %broadcast_in_dim3A_8 {strides = array<i32>} : memref<1x50x1000xf32, #tpu.memory_space<vmem>>, vector<16xf32>,
      %swap3A_590 = arith.constant 0 : i32
      %swap3A_591 = arith.index_cast %swap3A_590 : i32 to index
      %swap3A_592 = arith.index_cast %scan3A_189 : i32 to index
      %swap3A_593 = arith.constant 272 : index
      %swap3A_594 = tpu.vector_load %arg6[%swap3A_591, %swap3A_592, %swap3A_593] {strides = array<i32>} : memref<1x50x1000xf32, #tpu.memory_space<vmem>>, vector<16xf32>,
      tpu.vector_store %arg6[%swap3A_591, %swap3A_592, %swap3A_593], %broadcast_in_dim3A_8 {strides = array<i32>} : memref<1x50x1000xf32, #tpu.memory_space<vmem>>, vector<16xf32>,
      %swap3A_595 = arith.constant 0 : i32
      %swap3A_596 = arith.index_cast %swap3A_595 : i32 to index
      %swap3A_597 = arith.index_cast %scan3A_189 : i32 to index
      %swap3A_598 = arith.constant 288 : index
      %swap3A_599 = tpu.vector_load %arg6[%swap3A_596, %swap3A_597, %swap3A_598] {strides = array<i32>} : memref<1x50x1000xf32, #tpu.memory_space<vmem>>, vector<16xf32>,
      tpu.vector_store %arg6[%swap3A_596, %swap3A_597, %swap3A_598], %broadcast_in_dim3A_8 {strides = array<i32>} : memref<1x50x1000xf32, #tpu.memory_space<vmem>>, vector<16xf32>,
      %swap3A_600 = arith.constant 0 : i32
      %swap3A_601 = arith.index_cast %swap3A_600 : i32 to index
      %swap3A_602 = arith.index_cast %scan3A_189 : i32 to index
      %swap3A_603 = arith.constant 304 : index
      %swap3A_604 = tpu.vector_load %arg6[%swap3A_601, %swap3A_602, %swap3A_603] {strides = array<i32>} : memref<1x50x1000xf32, #tpu.memory_space<vmem>>, vector<16xf32>,
      tpu.vector_store %arg6[%swap3A_601, %swap3A_602, %swap3A_603], %broadcast_in_dim3A_8 {strides = array<i32>} : memref<1x50x1000xf32, #tpu.memory_space<vmem>>, vector<16xf32>,
      %swap3A_605 = arith.constant 0 : i32
      %swap3A_606 = arith.index_cast %swap3A_605 : i32 to index
      %swap3A_607 = arith.index_cast %scan3A_189 : i32 to index
      %swap3A_608 = arith.constant 320 : index
      %swap3A_609 = tpu.vector_load %arg6[%swap3A_606, %swap3A_607, %swap3A_608] {strides = array<i32>} : memref<1x50x1000xf32, #tpu.memory_space<vmem>>, vector<16xf32>,
      tpu.vector_store %arg6[%swap3A_606, %swap3A_607, %swap3A_608], %broadcast_in_dim3A_8 {strides = array<i32>} : memref<1x50x1000xf32, #tpu.memory_space<vmem>>, vector<16xf32>,
      %swap3A_610 = arith.constant 0 : i32
      %swap3A_611 = arith.index_cast %swap3A_610 : i32 to index
      %swap3A_612 = arith.index_cast %scan3A_189 : i32 to index
      %swap3A_613 = arith.constant 336 : index
      %swap3A_614 = tpu.vector_load %arg6[%swap3A_611, %swap3A_612, %swap3A_613] {strides = array<i32>} : memref<1x50x1000xf32, #tpu.memory_space<vmem>>, vector<16xf32>,
      tpu.vector_store %arg6[%swap3A_611, %swap3A_612, %swap3A_613], %broadcast_in_dim3A_8 {strides = array<i32>} : memref<1x50x1000xf32, #tpu.memory_space<vmem>>, vector<16xf32>,
      %swap3A_615 = arith.constant 0 : i32
      %swap3A_616 = arith.index_cast %swap3A_615 : i32 to index
      %swap3A_617 = arith.index_cast %scan3A_189 : i32 to index
      %swap3A_618 = arith.constant 352 : index
      %swap3A_619 = tpu.vector_load %arg6[%swap3A_616, %swap3A_617, %swap3A_618] {strides = array<i32>} : memref<1x50x1000xf32, #tpu.memory_space<vmem>>, vector<16xf32>,
      tpu.vector_store %arg6[%swap3A_616, %swap3A_617, %swap3A_618], %broadcast_in_dim3A_8 {strides = array<i32>} : memref<1x50x1000xf32, #tpu.memory_space<vmem>>, vector<16xf32>,
      %swap3A_620 = arith.constant 0 : i32
      %swap3A_621 = arith.index_cast %swap3A_620 : i32 to index
      %swap3A_622 = arith.index_cast %scan3A_189 : i32 to index
      %swap3A_623 = arith.constant 368 : index
      %swap3A_624 = tpu.vector_load %arg6[%swap3A_621, %swap3A_622, %swap3A_623] {strides = array<i32>} : memref<1x50x1000xf32, #tpu.memory_space<vmem>>, vector<16xf32>,
      tpu.vector_store %arg6[%swap3A_621, %swap3A_622, %swap3A_623], %broadcast_in_dim3A_8 {strides = array<i32>} : memref<1x50x1000xf32, #tpu.memory_space<vmem>>, vector<16xf32>,
      %swap3A_625 = arith.constant 0 : i32
      %swap3A_626 = arith.index_cast %swap3A_625 : i32 to index
      %swap3A_627 = arith.index_cast %scan3A_189 : i32 to index
      %swap3A_628 = arith.constant 384 : index
      %swap3A_629 = tpu.vector_load %arg6[%swap3A_626, %swap3A_627, %swap3A_628] {strides = array<i32>} : memref<1x50x1000xf32, #tpu.memory_space<vmem>>, vector<16xf32>,
      tpu.vector_store %arg6[%swap3A_626, %swap3A_627, %swap3A_628], %broadcast_in_dim3A_8 {strides = array<i32>} : memref<1x50x1000xf32, #tpu.memory_space<vmem>>, vector<16xf32>,
      %swap3A_630 = arith.constant 0 : i32
      %swap3A_631 = arith.index_cast %swap3A_630 : i32 to index
      %swap3A_632 = arith.index_cast %scan3A_189 : i32 to index
      %swap3A_633 = arith.constant 400 : index
      %swap3A_634 = tpu.vector_load %arg6[%swap3A_631, %swap3A_632, %swap3A_633] {strides = array<i32>} : memref<1x50x1000xf32, #tpu.memory_space<vmem>>, vector<16xf32>,
      tpu.vector_store %arg6[%swap3A_631, %swap3A_632, %swap3A_633], %broadcast_in_dim3A_8 {strides = array<i32>} : memref<1x50x1000xf32, #tpu.memory_space<vmem>>, vector<16xf32>,
      %swap3A_635 = arith.constant 0 : i32
      %swap3A_636 = arith.index_cast %swap3A_635 : i32 to index
      %swap3A_637 = arith.index_cast %scan3A_189 : i32 to index
      %swap3A_638 = arith.constant 416 : index
      %swap3A_639 = tpu.vector_load %arg6[%swap3A_636, %swap3A_637, %swap3A_638] {strides = array<i32>} : memref<1x50x1000xf32, #tpu.memory_space<vmem>>, vector<16xf32>,
      tpu.vector_store %arg6[%swap3A_636, %swap3A_637, %swap3A_638], %broadcast_in_dim3A_8 {strides = array<i32>} : memref<1x50x1000xf32, #tpu.memory_space<vmem>>, vector<16xf32>,
      %swap3A_640 = arith.constant 0 : i32
      %swap3A_641 = arith.index_cast %swap3A_640 : i32 to index
      %swap3A_642 = arith.index_cast %scan3A_189 : i32 to index
      %swap3A_643 = arith.constant 432 : index
      %swap3A_644 = tpu.vector_load %arg6[%swap3A_641, %swap3A_642, %swap3A_643] {strides = array<i32>} : memref<1x50x1000xf32, #tpu.memory_space<vmem>>, vector<16xf32>,
      tpu.vector_store %arg6[%swap3A_641, %swap3A_642, %swap3A_643], %broadcast_in_dim3A_8 {strides = array<i32>} : memref<1x50x1000xf32, #tpu.memory_space<vmem>>, vector<16xf32>,
      %swap3A_645 = arith.constant 0 : i32
      %swap3A_646 = arith.index_cast %swap3A_645 : i32 to index
      %swap3A_647 = arith.index_cast %scan3A_189 : i32 to index
      %swap3A_648 = arith.constant 448 : index
      %swap3A_649 = tpu.vector_load %arg6[%swap3A_646, %swap3A_647, %swap3A_648] {strides = array<i32>} : memref<1x50x1000xf32, #tpu.memory_space<vmem>>, vector<16xf32>,
      tpu.vector_store %arg6[%swap3A_646, %swap3A_647, %swap3A_648], %broadcast_in_dim3A_8 {strides = array<i32>} : memref<1x50x1000xf32, #tpu.memory_space<vmem>>, vector<16xf32>,
      %swap3A_650 = arith.constant 0 : i32
      %swap3A_651 = arith.index_cast %swap3A_650 : i32 to index
      %swap3A_652 = arith.index_cast %scan3A_189 : i32 to index
      %swap3A_653 = arith.constant 464 : index
      %swap3A_654 = tpu.vector_load %arg6[%swap3A_651, %swap3A_652, %swap3A_653] {strides = array<i32>} : memref<1x50x1000xf32, #tpu.memory_space<vmem>>, vector<16xf32>,
      tpu.vector_store %arg6[%swap3A_651, %swap3A_652, %swap3A_653], %broadcast_in_dim3A_8 {strides = array<i32>} : memref<1x50x1000xf32, #tpu.memory_space<vmem>>, vector<16xf32>,
      %swap3A_655 = arith.constant 0 : i32
      %swap3A_656 = arith.index_cast %swap3A_655 : i32 to index
      %swap3A_657 = arith.index_cast %scan3A_189 : i32 to index
      %swap3A_658 = arith.constant 480 : index
      %swap3A_659 = tpu.vector_load %arg6[%swap3A_656, %swap3A_657, %swap3A_658] {strides = array<i32>} : memref<1x50x1000xf32, #tpu.memory_space<vmem>>, vector<16xf32>,
      tpu.vector_store %arg6[%swap3A_656, %swap3A_657, %swap3A_658], %broadcast_in_dim3A_8 {strides = array<i32>} : memref<1x50x1000xf32, #tpu.memory_space<vmem>>, vector<16xf32>,
      %swap3A_660 = arith.constant 0 : i32
      %swap3A_661 = arith.index_cast %swap3A_660 : i32 to index
      %swap3A_662 = arith.index_cast %scan3A_189 : i32 to index
      %swap3A_663 = arith.constant 496 : index
      %swap3A_664 = tpu.vector_load %arg6[%swap3A_661, %swap3A_662, %swap3A_663] {strides = array<i32>} : memref<1x50x1000xf32, #tpu.memory_space<vmem>>, vector<16xf32>,
      tpu.vector_store %arg6[%swap3A_661, %swap3A_662, %swap3A_663], %broadcast_in_dim3A_8 {strides = array<i32>} : memref<1x50x1000xf32, #tpu.memory_space<vmem>>, vector<16xf32>,
      %swap3A_665 = arith.constant 0 : i32
      %swap3A_666 = arith.index_cast %swap3A_665 : i32 to index
      %swap3A_667 = arith.index_cast %scan3A_189 : i32 to index
      %swap3A_668 = arith.constant 512 : index
      %swap3A_669 = tpu.vector_load %arg6[%swap3A_666, %swap3A_667, %swap3A_668] {strides = array<i32>} : memref<1x50x1000xf32, #tpu.memory_space<vmem>>, vector<16xf32>,
      tpu.vector_store %arg6[%swap3A_666, %swap3A_667, %swap3A_668], %broadcast_in_dim3A_8 {strides = array<i32>} : memref<1x50x1000xf32, #tpu.memory_space<vmem>>, vector<16xf32>,
      %swap3A_670 = arith.constant 0 : i32
      %swap3A_671 = arith.index_cast %swap3A_670 : i32 to index
      %swap3A_672 = arith.index_cast %scan3A_189 : i32 to index
      %swap3A_673 = arith.constant 528 : index
      %swap3A_674 = tpu.vector_load %arg6[%swap3A_671, %swap3A_672, %swap3A_673] {strides = array<i32>} : memref<1x50x1000xf32, #tpu.memory_space<vmem>>, vector<16xf32>,
      tpu.vector_store %arg6[%swap3A_671, %swap3A_672, %swap3A_673], %broadcast_in_dim3A_8 {strides = array<i32>} : memref<1x50x1000xf32, #tpu.memory_space<vmem>>, vector<16xf32>,
      %swap3A_675 = arith.constant 0 : i32
      %swap3A_676 = arith.index_cast %swap3A_675 : i32 to index
      %swap3A_677 = arith.index_cast %scan3A_189 : i32 to index
      %swap3A_678 = arith.constant 544 : index
      %swap3A_679 = tpu.vector_load %arg6[%swap3A_676, %swap3A_677, %swap3A_678] {strides = array<i32>} : memref<1x50x1000xf32, #tpu.memory_space<vmem>>, vector<16xf32>,
      tpu.vector_store %arg6[%swap3A_676, %swap3A_677, %swap3A_678], %broadcast_in_dim3A_8 {strides = array<i32>} : memref<1x50x1000xf32, #tpu.memory_space<vmem>>, vector<16xf32>,
      %swap3A_680 = arith.constant 0 : i32
      %swap3A_681 = arith.index_cast %swap3A_680 : i32 to index
      %swap3A_682 = arith.index_cast %scan3A_189 : i32 to index
      %swap3A_683 = arith.constant 560 : index
      %swap3A_684 = tpu.vector_load %arg6[%swap3A_681, %swap3A_682, %swap3A_683] {strides = array<i32>} : memref<1x50x1000xf32, #tpu.memory_space<vmem>>, vector<16xf32>,
      tpu.vector_store %arg6[%swap3A_681, %swap3A_682, %swap3A_683], %broadcast_in_dim3A_8 {strides = array<i32>} : memref<1x50x1000xf32, #tpu.memory_space<vmem>>, vector<16xf32>,
      %swap3A_685 = arith.constant 0 : i32
      %swap3A_686 = arith.index_cast %swap3A_685 : i32 to index
      %swap3A_687 = arith.index_cast %scan3A_189 : i32 to index
      %swap3A_688 = arith.constant 576 : index
      %swap3A_689 = tpu.vector_load %arg6[%swap3A_686, %swap3A_687, %swap3A_688] {strides = array<i32>} : memref<1x50x1000xf32, #tpu.memory_space<vmem>>, vector<16xf32>,
      tpu.vector_store %arg6[%swap3A_686, %swap3A_687, %swap3A_688], %broadcast_in_dim3A_8 {strides = array<i32>} : memref<1x50x1000xf32, #tpu.memory_space<vmem>>, vector<16xf32>,
      %swap3A_690 = arith.constant 0 : i32
      %swap3A_691 = arith.index_cast %swap3A_690 : i32 to index
      %swap3A_692 = arith.index_cast %scan3A_189 : i32 to index
      %swap3A_693 = arith.constant 592 : index
      %swap3A_694 = tpu.vector_load %arg6[%swap3A_691, %swap3A_692, %swap3A_693] {strides = array<i32>} : memref<1x50x1000xf32, #tpu.memory_space<vmem>>, vector<16xf32>,
      tpu.vector_store %arg6[%swap3A_691, %swap3A_692, %swap3A_693], %broadcast_in_dim3A_8 {strides = array<i32>} : memref<1x50x1000xf32, #tpu.memory_space<vmem>>, vector<16xf32>,
      %swap3A_695 = arith.constant 0 : i32
      %swap3A_696 = arith.index_cast %swap3A_695 : i32 to index
      %swap3A_697 = arith.index_cast %scan3A_189 : i32 to index
      %swap3A_698 = arith.constant 608 : index
      %swap3A_699 = tpu.vector_load %arg6[%swap3A_696, %swap3A_697, %swap3A_698] {strides = array<i32>} : memref<1x50x1000xf32, #tpu.memory_space<vmem>>, vector<16xf32>,
      tpu.vector_store %arg6[%swap3A_696, %swap3A_697, %swap3A_698], %broadcast_in_dim3A_8 {strides = array<i32>} : memref<1x50x1000xf32, #tpu.memory_space<vmem>>, vector<16xf32>,
      %swap3A_700 = arith.constant 0 : i32
      %swap3A_701 = arith.index_cast %swap3A_700 : i32 to index
      %swap3A_702 = arith.index_cast %scan3A_189 : i32 to index
      %swap3A_703 = arith.constant 624 : index
      %swap3A_704 = tpu.vector_load %arg6[%swap3A_701, %swap3A_702, %swap3A_703] {strides = array<i32>} : memref<1x50x1000xf32, #tpu.memory_space<vmem>>, vector<16xf32>,
      tpu.vector_store %arg6[%swap3A_701, %swap3A_702, %swap3A_703], %broadcast_in_dim3A_8 {strides = array<i32>} : memref<1x50x1000xf32, #tpu.memory_space<vmem>>, vector<16xf32>,
      %swap3A_705 = arith.constant 0 : i32
      %swap3A_706 = arith.index_cast %swap3A_705 : i32 to index
      %swap3A_707 = arith.index_cast %scan3A_189 : i32 to index
      %swap3A_708 = arith.constant 640 : index
      %swap3A_709 = tpu.vector_load %arg6[%swap3A_706, %swap3A_707, %swap3A_708] {strides = array<i32>} : memref<1x50x1000xf32, #tpu.memory_space<vmem>>, vector<16xf32>,
      tpu.vector_store %arg6[%swap3A_706, %swap3A_707, %swap3A_708], %broadcast_in_dim3A_8 {strides = array<i32>} : memref<1x50x1000xf32, #tpu.memory_space<vmem>>, vector<16xf32>,
      %swap3A_710 = arith.constant 0 : i32
      %swap3A_711 = arith.index_cast %swap3A_710 : i32 to index
      %swap3A_712 = arith.index_cast %scan3A_189 : i32 to index
      %swap3A_713 = arith.constant 656 : index
      %swap3A_714 = tpu.vector_load %arg6[%swap3A_711, %swap3A_712, %swap3A_713] {strides = array<i32>} : memref<1x50x1000xf32, #tpu.memory_space<vmem>>, vector<16xf32>,
      tpu.vector_store %arg6[%swap3A_711, %swap3A_712, %swap3A_713], %broadcast_in_dim3A_8 {strides = array<i32>} : memref<1x50x1000xf32, #tpu.memory_space<vmem>>, vector<16xf32>,
      %swap3A_715 = arith.constant 0 : i32
      %swap3A_716 = arith.index_cast %swap3A_715 : i32 to index
      %swap3A_717 = arith.index_cast %scan3A_189 : i32 to index
      %swap3A_718 = arith.constant 672 : index
      %swap3A_719 = tpu.vector_load %arg6[%swap3A_716, %swap3A_717, %swap3A_718] {strides = array<i32>} : memref<1x50x1000xf32, #tpu.memory_space<vmem>>, vector<16xf32>,
      tpu.vector_store %arg6[%swap3A_716, %swap3A_717, %swap3A_718], %broadcast_in_dim3A_8 {strides = array<i32>} : memref<1x50x1000xf32, #tpu.memory_space<vmem>>, vector<16xf32>,
      %swap3A_720 = arith.constant 0 : i32
      %swap3A_721 = arith.index_cast %swap3A_720 : i32 to index
      %swap3A_722 = arith.index_cast %scan3A_189 : i32 to index
      %swap3A_723 = arith.constant 688 : index
      %swap3A_724 = tpu.vector_load %arg6[%swap3A_721, %swap3A_722, %swap3A_723] {strides = array<i32>} : memref<1x50x1000xf32, #tpu.memory_space<vmem>>, vector<16xf32>,
      tpu.vector_store %arg6[%swap3A_721, %swap3A_722, %swap3A_723], %broadcast_in_dim3A_8 {strides = array<i32>} : memref<1x50x1000xf32, #tpu.memory_space<vmem>>, vector<16xf32>,
      %swap3A_725 = arith.constant 0 : i32
      %swap3A_726 = arith.index_cast %swap3A_725 : i32 to index
      %swap3A_727 = arith.index_cast %scan3A_189 : i32 to index
      %swap3A_728 = arith.constant 704 : index
      %swap3A_729 = tpu.vector_load %arg6[%swap3A_726, %swap3A_727, %swap3A_728] {strides = array<i32>} : memref<1x50x1000xf32, #tpu.memory_space<vmem>>, vector<16xf32>,
      tpu.vector_store %arg6[%swap3A_726, %swap3A_727, %swap3A_728], %broadcast_in_dim3A_8 {strides = array<i32>} : memref<1x50x1000xf32, #tpu.memory_space<vmem>>, vector<16xf32>,
      %swap3A_730 = arith.constant 0 : i32
      %swap3A_731 = arith.index_cast %swap3A_730 : i32 to index
      %swap3A_732 = arith.index_cast %scan3A_189 : i32 to index
      %swap3A_733 = arith.constant 720 : index
      %swap3A_734 = tpu.vector_load %arg6[%swap3A_731, %swap3A_732, %swap3A_733] {strides = array<i32>} : memref<1x50x1000xf32, #tpu.memory_space<vmem>>, vector<16xf32>,
      tpu.vector_store %arg6[%swap3A_731, %swap3A_732, %swap3A_733], %broadcast_in_dim3A_8 {strides = array<i32>} : memref<1x50x1000xf32, #tpu.memory_space<vmem>>, vector<16xf32>,
      %swap3A_735 = arith.constant 0 : i32
      %swap3A_736 = arith.index_cast %swap3A_735 : i32 to index
      %swap3A_737 = arith.index_cast %scan3A_189 : i32 to index
      %swap3A_738 = arith.constant 736 : index
      %swap3A_739 = tpu.vector_load %arg6[%swap3A_736, %swap3A_737, %swap3A_738] {strides = array<i32>} : memref<1x50x1000xf32, #tpu.memory_space<vmem>>, vector<16xf32>,
      tpu.vector_store %arg6[%swap3A_736, %swap3A_737, %swap3A_738], %broadcast_in_dim3A_8 {strides = array<i32>} : memref<1x50x1000xf32, #tpu.memory_space<vmem>>, vector<16xf32>,
      %swap3A_740 = arith.constant 0 : i32
      %swap3A_741 = arith.index_cast %swap3A_740 : i32 to index
      %swap3A_742 = arith.index_cast %scan3A_189 : i32 to index
      %swap3A_743 = arith.constant 752 : index
      %swap3A_744 = tpu.vector_load %arg6[%swap3A_741, %swap3A_742, %swap3A_743] {strides = array<i32>} : memref<1x50x1000xf32, #tpu.memory_space<vmem>>, vector<16xf32>,
      tpu.vector_store %arg6[%swap3A_741, %swap3A_742, %swap3A_743], %broadcast_in_dim3A_8 {strides = array<i32>} : memref<1x50x1000xf32, #tpu.memory_space<vmem>>, vector<16xf32>,
      %swap3A_745 = arith.constant 0 : i32
      %swap3A_746 = arith.index_cast %swap3A_745 : i32 to index
      %swap3A_747 = arith.index_cast %scan3A_189 : i32 to index
      %swap3A_748 = arith.constant 768 : index
      %swap3A_749 = tpu.vector_load %arg6[%swap3A_746, %swap3A_747, %swap3A_748] {strides = array<i32>} : memref<1x50x1000xf32, #tpu.memory_space<vmem>>, vector<16xf32>,
      tpu.vector_store %arg6[%swap3A_746, %swap3A_747, %swap3A_748], %broadcast_in_dim3A_8 {strides = array<i32>} : memref<1x50x1000xf32, #tpu.memory_space<vmem>>, vector<16xf32>,
      %swap3A_750 = arith.constant 0 : i32
      %swap3A_751 = arith.index_cast %swap3A_750 : i32 to index
      %swap3A_752 = arith.index_cast %scan3A_189 : i32 to index
      %swap3A_753 = arith.constant 784 : index
      %swap3A_754 = tpu.vector_load %arg6[%swap3A_751, %swap3A_752, %swap3A_753] {strides = array<i32>} : memref<1x50x1000xf32, #tpu.memory_space<vmem>>, vector<16xf32>,
      tpu.vector_store %arg6[%swap3A_751, %swap3A_752, %swap3A_753], %broadcast_in_dim3A_8 {strides = array<i32>} : memref<1x50x1000xf32, #tpu.memory_space<vmem>>, vector<16xf32>,
      %swap3A_755 = arith.constant 0 : i32
      %swap3A_756 = arith.index_cast %swap3A_755 : i32 to index
      %swap3A_757 = arith.index_cast %scan3A_189 : i32 to index
      %swap3A_758 = arith.constant 800 : index
      %swap3A_759 = tpu.vector_load %arg6[%swap3A_756, %swap3A_757, %swap3A_758] {strides = array<i32>} : memref<1x50x1000xf32, #tpu.memory_space<vmem>>, vector<16xf32>,
      tpu.vector_store %arg6[%swap3A_756, %swap3A_757, %swap3A_758], %broadcast_in_dim3A_8 {strides = array<i32>} : memref<1x50x1000xf32, #tpu.memory_space<vmem>>, vector<16xf32>,
      %swap3A_760 = arith.constant 0 : i32
      %swap3A_761 = arith.index_cast %swap3A_760 : i32 to index
      %swap3A_762 = arith.index_cast %scan3A_189 : i32 to index
      %swap3A_763 = arith.constant 816 : index
      %swap3A_764 = tpu.vector_load %arg6[%swap3A_761, %swap3A_762, %swap3A_763] {strides = array<i32>} : memref<1x50x1000xf32, #tpu.memory_space<vmem>>, vector<16xf32>,
      tpu.vector_store %arg6[%swap3A_761, %swap3A_762, %swap3A_763], %broadcast_in_dim3A_8 {strides = array<i32>} : memref<1x50x1000xf32, #tpu.memory_space<vmem>>, vector<16xf32>,
      %swap3A_765 = arith.constant 0 : i32
      %swap3A_766 = arith.index_cast %swap3A_765 : i32 to index
      %swap3A_767 = arith.index_cast %scan3A_189 : i32 to index
      %swap3A_768 = arith.constant 832 : index
      %swap3A_769 = tpu.vector_load %arg6[%swap3A_766, %swap3A_767, %swap3A_768] {strides = array<i32>} : memref<1x50x1000xf32, #tpu.memory_space<vmem>>, vector<16xf32>,
      tpu.vector_store %arg6[%swap3A_766, %swap3A_767, %swap3A_768], %broadcast_in_dim3A_8 {strides = array<i32>} : memref<1x50x1000xf32, #tpu.memory_space<vmem>>, vector<16xf32>,
      %swap3A_770 = arith.constant 0 : i32
      %swap3A_771 = arith.index_cast %swap3A_770 : i32 to index
      %swap3A_772 = arith.index_cast %scan3A_189 : i32 to index
      %swap3A_773 = arith.constant 848 : index
      %swap3A_774 = tpu.vector_load %arg6[%swap3A_771, %swap3A_772, %swap3A_773] {strides = array<i32>} : memref<1x50x1000xf32, #tpu.memory_space<vmem>>, vector<16xf32>,
      tpu.vector_store %arg6[%swap3A_771, %swap3A_772, %swap3A_773], %broadcast_in_dim3A_8 {strides = array<i32>} : memref<1x50x1000xf32, #tpu.memory_space<vmem>>, vector<16xf32>,
      %swap3A_775 = arith.constant 0 : i32
      %swap3A_776 = arith.index_cast %swap3A_775 : i32 to index
      %swap3A_777 = arith.index_cast %scan3A_189 : i32 to index
      %swap3A_778 = arith.constant 864 : index
      %swap3A_779 = tpu.vector_load %arg6[%swap3A_776, %swap3A_777, %swap3A_778] {strides = array<i32>} : memref<1x50x1000xf32, #tpu.memory_space<vmem>>, vector<16xf32>,
      tpu.vector_store %arg6[%swap3A_776, %swap3A_777, %swap3A_778], %broadcast_in_dim3A_8 {strides = array<i32>} : memref<1x50x1000xf32, #tpu.memory_space<vmem>>, vector<16xf32>,
      %swap3A_780 = arith.constant 0 : i32
      %swap3A_781 = arith.index_cast %swap3A_780 : i32 to index
      %swap3A_782 = arith.index_cast %scan3A_189 : i32 to index
      %swap3A_783 = arith.constant 880 : index
      %swap3A_784 = tpu.vector_load %arg6[%swap3A_781, %swap3A_782, %swap3A_783] {strides = array<i32>} : memref<1x50x1000xf32, #tpu.memory_space<vmem>>, vector<16xf32>,
      tpu.vector_store %arg6[%swap3A_781, %swap3A_782, %swap3A_783], %broadcast_in_dim3A_8 {strides = array<i32>} : memref<1x50x1000xf32, #tpu.memory_space<vmem>>, vector<16xf32>,
      %swap3A_785 = arith.constant 0 : i32
      %swap3A_786 = arith.index_cast %swap3A_785 : i32 to index
      %swap3A_787 = arith.index_cast %scan3A_189 : i32 to index
      %swap3A_788 = arith.constant 896 : index
      %swap3A_789 = tpu.vector_load %arg6[%swap3A_786, %swap3A_787, %swap3A_788] {strides = array<i32>} : memref<1x50x1000xf32, #tpu.memory_space<vmem>>, vector<16xf32>,
      tpu.vector_store %arg6[%swap3A_786, %swap3A_787, %swap3A_788], %broadcast_in_dim3A_8 {strides = array<i32>} : memref<1x50x1000xf32, #tpu.memory_space<vmem>>, vector<16xf32>,
      %swap3A_790 = arith.constant 0 : i32
      %swap3A_791 = arith.index_cast %swap3A_790 : i32 to index
      %swap3A_792 = arith.index_cast %scan3A_189 : i32 to index
      %swap3A_793 = arith.constant 912 : index
      %swap3A_794 = tpu.vector_load %arg6[%swap3A_791, %swap3A_792, %swap3A_793] {strides = array<i32>} : memref<1x50x1000xf32, #tpu.memory_space<vmem>>, vector<16xf32>,
      tpu.vector_store %arg6[%swap3A_791, %swap3A_792, %swap3A_793], %broadcast_in_dim3A_8 {strides = array<i32>} : memref<1x50x1000xf32, #tpu.memory_space<vmem>>, vector<16xf32>,
      %swap3A_795 = arith.constant 0 : i32
      %swap3A_796 = arith.index_cast %swap3A_795 : i32 to index
      %swap3A_797 = arith.index_cast %scan3A_189 : i32 to index
      %swap3A_798 = arith.constant 928 : index
      %swap3A_799 = tpu.vector_load %arg6[%swap3A_796, %swap3A_797, %swap3A_798] {strides = array<i32>} : memref<1x50x1000xf32, #tpu.memory_space<vmem>>, vector<16xf32>,
      tpu.vector_store %arg6[%swap3A_796, %swap3A_797, %swap3A_798], %broadcast_in_dim3A_8 {strides = array<i32>} : memref<1x50x1000xf32, #tpu.memory_space<vmem>>, vector<16xf32>,
      %swap3A_800 = arith.constant 0 : i32
      %swap3A_801 = arith.index_cast %swap3A_800 : i32 to index
      %swap3A_802 = arith.index_cast %scan3A_189 : i32 to index
      %swap3A_803 = arith.constant 944 : index
      %swap3A_804 = tpu.vector_load %arg6[%swap3A_801, %swap3A_802, %swap3A_803] {strides = array<i32>} : memref<1x50x1000xf32, #tpu.memory_space<vmem>>, vector<16xf32>,
      tpu.vector_store %arg6[%swap3A_801, %swap3A_802, %swap3A_803], %broadcast_in_dim3A_8 {strides = array<i32>} : memref<1x50x1000xf32, #tpu.memory_space<vmem>>, vector<16xf32>,
      %swap3A_805 = arith.constant 0 : i32
      %swap3A_806 = arith.index_cast %swap3A_805 : i32 to index
      %swap3A_807 = arith.index_cast %scan3A_189 : i32 to index
      %swap3A_808 = arith.constant 960 : index
      %swap3A_809 = tpu.vector_load %arg6[%swap3A_806, %swap3A_807, %swap3A_808] {strides = array<i32>} : memref<1x50x1000xf32, #tpu.memory_space<vmem>>, vector<16xf32>,
      tpu.vector_store %arg6[%swap3A_806, %swap3A_807, %swap3A_808], %broadcast_in_dim3A_8 {strides = array<i32>} : memref<1x50x1000xf32, #tpu.memory_space<vmem>>, vector<16xf32>,
      %swap3A_810 = arith.constant 0 : i32
      %swap3A_811 = arith.index_cast %swap3A_810 : i32 to index
      %swap3A_812 = arith.index_cast %scan3A_189 : i32 to index
      %swap3A_813 = arith.constant 976 : index
      %swap3A_814 = tpu.vector_load %arg6[%swap3A_811, %swap3A_812, %swap3A_813] {strides = array<i32>} : memref<1x50x1000xf32, #tpu.memory_space<vmem>>, vector<16xf32>,
      tpu.vector_store %arg6[%swap3A_811, %swap3A_812, %swap3A_813], %broadcast_in_dim3A_8 {strides = array<i32>} : memref<1x50x1000xf32, #tpu.memory_space<vmem>>, vector<16xf32>,
      %swap3A_815 = arith.constant 0 : i32
      %swap3A_816 = arith.index_cast %swap3A_815 : i32 to index
      %swap3A_817 = arith.index_cast %scan3A_189 : i32 to index
      %swap3A_818 = arith.constant 984 : index
      %swap3A_819 = tpu.vector_load %arg6[%swap3A_816, %swap3A_817, %swap3A_818] {strides = array<i32>} : memref<1x50x1000xf32, #tpu.memory_space<vmem>>, vector<16xf32>,
      tpu.vector_store %arg6[%swap3A_816, %swap3A_817, %swap3A_818], %broadcast_in_dim3A_8 {strides = array<i32>} : memref<1x50x1000xf32, #tpu.memory_space<vmem>>, vector<16xf32>,
    }
    %scan3A_17 = arith.constant 50 : i32
    %sub3A = arith.subi %iota3A, %iota3A : vector<16xi32>
    %get3A = arith.constant 0 : index
    %get3A_18 = tpu.vector_load %arg4[%get3A] {strides = array<i32>} : memref<1616xi32, #tpu.memory_space<vmem>>, vector<16xi32>,
    %add3A_19 = arith.constant 0 : i32
    %add3A_20 = vector.broadcast %add3A_19 : i32 to vector<16xi32>
    %add3A_21 = arith.addi %iota3A, %add3A_20 : vector<16xi32>
    tpu.vector_store_idx %arg5[%sub3A, %add3A_21, %get3A_18], %broadcast_in_dim3A_10 : memref<1x50x1000xf32, #tpu.memory_space<vmem>>[vector<16xi32>, vector<16xi32>, vector<16xi32>], vector<16xf32>,
    %get3A_22 = arith.constant 16 : index
    %get3A_23 = tpu.vector_load %arg4[%get3A_22] {strides = array<i32>} : memref<1616xi32, #tpu.memory_space<vmem>>, vector<16xi32>,
    %add3A_24 = arith.constant 16 : i32
    %add3A_25 = vector.broadcast %add3A_24 : i32 to vector<16xi32>
    %add3A_26 = arith.addi %iota3A, %add3A_25 : vector<16xi32>
    tpu.vector_store_idx %arg5[%sub3A, %add3A_26, %get3A_23], %broadcast_in_dim3A_10 : memref<1x50x1000xf32, #tpu.memory_space<vmem>>[vector<16xi32>, vector<16xi32>, vector<16xi32>], vector<16xf32>,
    %get3A_27 = arith.constant 32 : index
    %get3A_28 = tpu.vector_load %arg4[%get3A_27] {strides = array<i32>} : memref<1616xi32, #tpu.memory_space<vmem>>, vector<16xi32>,
    %add3A_29 = arith.constant 32 : i32
    %add3A_30 = vector.broadcast %add3A_29 : i32 to vector<16xi32>
    %add3A_31 = arith.addi %iota3A, %add3A_30 : vector<16xi32>
    tpu.vector_store_idx %arg5[%sub3A, %add3A_31, %get3A_28], %broadcast_in_dim3A_10 : memref<1x50x1000xf32, #tpu.memory_space<vmem>>[vector<16xi32>, vector<16xi32>, vector<16xi32>], vector<16xf32>,
    %get3A_32 = arith.constant 48 : index
    %get3A_33 = tpu.vector_load %arg4[%get3A_32] {strides = array<i32>} : memref<1616xi32, #tpu.memory_space<vmem>>, vector<16xi32>,
    %add3A_34 = arith.constant 48 : i32
    %add3A_35 = vector.broadcast %add3A_34 : i32 to vector<16xi32>
    %add3A_36 = arith.addi %iota3A, %add3A_35 : vector<16xi32>
    tpu.vector_store_idx %arg5[%sub3A, %add3A_36, %get3A_33], %broadcast_in_dim3A_10 masked %lt3A_12 : memref<1x50x1000xf32, #tpu.memory_space<vmem>>[vector<16xi32>, vector<16xi32>, vector<16xi32>], vector<16xf32>, vector<16xi1>
    %add3A_37 = arith.constant 0 : i32
    %add3A_38 = arith.addi %mul3A_2, %add3A_37 : i32
    %dma_start3A = arith.constant 0 : i32
    %dma_start3A_39 = arith.constant 0 : i32
    %dma_start3A_40 = arith.constant 0 : i32
    %dma_start3A_41 = tpu.memref_slice %arg5[%dma_start3A, %dma_start3A_39, %dma_start3A_40] : memref<1x50x1000xf32, #tpu.memory_space<vmem>> -> memref<1x24x1000xf32, #tpu.memory_space<vmem>>
    %dma_start3A_42 = arith.constant 0 : i32
    %dma_start3A_43 = arith.constant 0 : i32
    %dma_start3A_44 = tpu.memref_slice %arg3[%add3A_38, %dma_start3A_42, %dma_start3A_43] : memref<1024x50x1000xf32, #tpu.memory_space<hbm>> -> memref<1x24x1000xf32, #tpu.memory_space<hbm>>
    %dma_start3A_45 = arith.constant 0 : i32
    %dma_start3A_46 = arith.constant 0 : i32
    %dma_start3A_47 = tpu.memref_slice %arg3[%add3A_38, %dma_start3A_45, %dma_start3A_46] : memref<1024x50x1000xf32, #tpu.memory_space<hbm>> -> memref<1x24x1000xf32, #tpu.memory_space<hbm>>
    %dma_start3A_48 = arith.constant 0 : i32
    %dma_start3A_49 = arith.constant 0 : i32
    %dma_start3A_50 = arith.constant 0 : i32
    %dma_start3A_51 = tpu.memref_slice %arg5[%dma_start3A_48, %dma_start3A_49, %dma_start3A_50] : memref<1x50x1000xf32, #tpu.memory_space<vmem>> -> memref<1x24x1000xf32, #tpu.memory_space<vmem>>
    tpu.enqueue_dma source(%dma_start3A_51 : memref<1x24x1000xf32, #tpu.memory_space<vmem>>) target(%dma_start3A_47 : memref<1x24x1000xf32, #tpu.memory_space<hbm>>) target_semaphore(%arg7 : memref<!tpu.dma_semaphore, #tpu.memory_space<semaphore_mem>>)
    %add3A_52 = arith.constant 0 : i32
    %add3A_53 = arith.addi %mul3A_2, %add3A_52 : i32
    %dma_start3A_54 = arith.constant 0 : i32
    %dma_start3A_55 = arith.constant 24 : i32
    %dma_start3A_56 = arith.constant 0 : i32
    %dma_start3A_57 = tpu.memref_slice %arg5[%dma_start3A_54, %dma_start3A_55, %dma_start3A_56] : memref<1x50x1000xf32, #tpu.memory_space<vmem>> -> memref<1x26x1000xf32, #tpu.memory_space<vmem>>
    %dma_start3A_58 = arith.constant 24 : i32
    %dma_start3A_59 = arith.constant 0 : i32
    %dma_start3A_60 = tpu.memref_slice %arg3[%add3A_53, %dma_start3A_58, %dma_start3A_59] : memref<1024x50x1000xf32, #tpu.memory_space<hbm>> -> memref<1x26x1000xf32, #tpu.memory_space<hbm>>
    %dma_start3A_61 = arith.constant 24 : i32
    %dma_start3A_62 = arith.constant 0 : i32
    %dma_start3A_63 = tpu.memref_slice %arg3[%add3A_53, %dma_start3A_61, %dma_start3A_62] : memref<1024x50x1000xf32, #tpu.memory_space<hbm>> -> memref<1x26x1000xf32, #tpu.memory_space<hbm>>
    %dma_start3A_64 = arith.constant 0 : i32
    %dma_start3A_65 = arith.constant 24 : i32
    %dma_start3A_66 = arith.constant 0 : i32
    %dma_start3A_67 = tpu.memref_slice %arg5[%dma_start3A_64, %dma_start3A_65, %dma_start3A_66] : memref<1x50x1000xf32, #tpu.memory_space<vmem>> -> memref<1x26x1000xf32, #tpu.memory_space<vmem>>
    tpu.enqueue_dma source(%dma_start3A_67 : memref<1x26x1000xf32, #tpu.memory_space<vmem>>) target(%dma_start3A_63 : memref<1x26x1000xf32, #tpu.memory_space<hbm>>) target_semaphore(%arg7 : memref<!tpu.dma_semaphore, #tpu.memory_space<semaphore_mem>>)
    %get3A_68 = arith.constant 50 : index
    %get3A_69 = tpu.vector_load %arg4[%get3A_68] {strides = array<i32>} : memref<1616xi32, #tpu.memory_space<vmem>>, vector<16xi32>,
    %add3A_70 = arith.constant 0 : i32
    %add3A_71 = vector.broadcast %add3A_70 : i32 to vector<16xi32>
    %add3A_72 = arith.addi %iota3A, %add3A_71 : vector<16xi32>
    tpu.vector_store_idx %arg6[%sub3A, %add3A_72, %get3A_69], %broadcast_in_dim3A_10 : memref<1x50x1000xf32, #tpu.memory_space<vmem>>[vector<16xi32>, vector<16xi32>, vector<16xi32>], vector<16xf32>,
    %get3A_73 = arith.constant 66 : index
    %get3A_74 = tpu.vector_load %arg4[%get3A_73] {strides = array<i32>} : memref<1616xi32, #tpu.memory_space<vmem>>, vector<16xi32>,
    %add3A_75 = arith.constant 16 : i32
    %add3A_76 = vector.broadcast %add3A_75 : i32 to vector<16xi32>
    %add3A_77 = arith.addi %iota3A, %add3A_76 : vector<16xi32>
    tpu.vector_store_idx %arg6[%sub3A, %add3A_77, %get3A_74], %broadcast_in_dim3A_10 : memref<1x50x1000xf32, #tpu.memory_space<vmem>>[vector<16xi32>, vector<16xi32>, vector<16xi32>], vector<16xf32>,
    %get3A_78 = arith.constant 82 : index
    %get3A_79 = tpu.vector_load %arg4[%get3A_78] {strides = array<i32>} : memref<1616xi32, #tpu.memory_space<vmem>>, vector<16xi32>,
    %add3A_80 = arith.constant 32 : i32
    %add3A_81 = vector.broadcast %add3A_80 : i32 to vector<16xi32>
    %add3A_82 = arith.addi %iota3A, %add3A_81 : vector<16xi32>
    tpu.vector_store_idx %arg6[%sub3A, %add3A_82, %get3A_79], %broadcast_in_dim3A_10 : memref<1x50x1000xf32, #tpu.memory_space<vmem>>[vector<16xi32>, vector<16xi32>, vector<16xi32>], vector<16xf32>,
    %get3A_83 = arith.constant 98 : index
    %get3A_84 = tpu.vector_load %arg4[%get3A_83] {strides = array<i32>} : memref<1616xi32, #tpu.memory_space<vmem>>, vector<16xi32>,
    %add3A_85 = arith.constant 48 : i32
    %add3A_86 = vector.broadcast %add3A_85 : i32 to vector<16xi32>
    %add3A_87 = arith.addi %iota3A, %add3A_86 : vector<16xi32>
    tpu.vector_store_idx %arg6[%sub3A, %add3A_87, %get3A_84], %broadcast_in_dim3A_10 masked %lt3A_12 : memref<1x50x1000xf32, #tpu.memory_space<vmem>>[vector<16xi32>, vector<16xi32>, vector<16xi32>], vector<16xf32>, vector<16xi1>
    %add3A_88 = arith.constant 1 : i32
    %add3A_89 = arith.addi %mul3A_2, %add3A_88 : i32
    %dma_start3A_90 = arith.constant 0 : i32
    %dma_start3A_91 = arith.constant 0 : i32
    %dma_start3A_92 = arith.constant 0 : i32
    %dma_start3A_93 = tpu.memref_slice %arg6[%dma_start3A_90, %dma_start3A_91, %dma_start3A_92] : memref<1x50x1000xf32, #tpu.memory_space<vmem>> -> memref<1x24x1000xf32, #tpu.memory_space<vmem>>
    %dma_start3A_94 = arith.constant 0 : i32
    %dma_start3A_95 = arith.constant 0 : i32
    %dma_start3A_96 = tpu.memref_slice %arg3[%add3A_89, %dma_start3A_94, %dma_start3A_95] : memref<1024x50x1000xf32, #tpu.memory_space<hbm>> -> memref<1x24x1000xf32, #tpu.memory_space<hbm>>
    %dma_start3A_97 = arith.constant 0 : i32
    %dma_start3A_98 = arith.constant 0 : i32
    %dma_start3A_99 = tpu.memref_slice %arg3[%add3A_89, %dma_start3A_97, %dma_start3A_98] : memref<1024x50x1000xf32, #tpu.memory_space<hbm>> -> memref<1x24x1000xf32, #tpu.memory_space<hbm>>
    %dma_start3A_100 = arith.constant 0 : i32
    %dma_start3A_101 = arith.constant 0 : i32
    %dma_start3A_102 = arith.constant 0 : i32
    %dma_start3A_103 = tpu.memref_slice %arg6[%dma_start3A_100, %dma_start3A_101, %dma_start3A_102] : memref<1x50x1000xf32, #tpu.memory_space<vmem>> -> memref<1x24x1000xf32, #tpu.memory_space<vmem>>
    tpu.enqueue_dma source(%dma_start3A_103 : memref<1x24x1000xf32, #tpu.memory_space<vmem>>) target(%dma_start3A_99 : memref<1x24x1000xf32, #tpu.memory_space<hbm>>) target_semaphore(%arg8 : memref<!tpu.dma_semaphore, #tpu.memory_space<semaphore_mem>>)
    %add3A_104 = arith.constant 1 : i32
    %add3A_105 = arith.addi %mul3A_2, %add3A_104 : i32
    %dma_start3A_106 = arith.constant 0 : i32
    %dma_start3A_107 = arith.constant 24 : i32
    %dma_start3A_108 = arith.constant 0 : i32
    %dma_start3A_109 = tpu.memref_slice %arg6[%dma_start3A_106, %dma_start3A_107, %dma_start3A_108] : memref<1x50x1000xf32, #tpu.memory_space<vmem>> -> memref<1x26x1000xf32, #tpu.memory_space<vmem>>
    %dma_start3A_110 = arith.constant 24 : i32
    %dma_start3A_111 = arith.constant 0 : i32
    %dma_start3A_112 = tpu.memref_slice %arg3[%add3A_105, %dma_start3A_110, %dma_start3A_111] : memref<1024x50x1000xf32, #tpu.memory_space<hbm>> -> memref<1x26x1000xf32, #tpu.memory_space<hbm>>
    %dma_start3A_113 = arith.constant 24 : i32
    %dma_start3A_114 = arith.constant 0 : i32
    %dma_start3A_115 = tpu.memref_slice %arg3[%add3A_105, %dma_start3A_113, %dma_start3A_114] : memref<1024x50x1000xf32, #tpu.memory_space<hbm>> -> memref<1x26x1000xf32, #tpu.memory_space<hbm>>
    %dma_start3A_116 = arith.constant 0 : i32
    %dma_start3A_117 = arith.constant 24 : i32
    %dma_start3A_118 = arith.constant 0 : i32
    %dma_start3A_119 = tpu.memref_slice %arg6[%dma_start3A_116, %dma_start3A_117, %dma_start3A_118] : memref<1x50x1000xf32, #tpu.memory_space<vmem>> -> memref<1x26x1000xf32, #tpu.memory_space<vmem>>
    tpu.enqueue_dma source(%dma_start3A_119 : memref<1x26x1000xf32, #tpu.memory_space<vmem>>) target(%dma_start3A_115 : memref<1x26x1000xf32, #tpu.memory_space<hbm>>) target_semaphore(%arg8 : memref<!tpu.dma_semaphore, #tpu.memory_space<semaphore_mem>>)
    %scan3A_120 = arith.constant 0 : i32
    %scan3A_121 = arith.constant 0 : i32
    %scan3A_122 = arith.constant 15 : i32
    %scan3A_123 = arith.addi %scan3A_121, %scan3A_122 : i32
    %scan3A_124 = arith.constant 1 : i32
    scf.for %scan3A_189 = %scan3A_121 to %scan3A_123 step %scan3A_124  : i32 {
      %mul3A_190 = arith.constant 2 : i32
      %mul3A_191 = arith.muli %mul3A_190, %scan3A_189 : i32
      %add3A_192 = arith.constant 2 : i32
      %add3A_193 = arith.addi %mul3A_191, %add3A_192 : i32
      %add3A_194 = arith.constant 0 : i32
      %add3A_195 = arith.addi %add3A_193, %add3A_194 : i32
      %add3A_196 = arith.addi %mul3A_2, %add3A_195 : i32
      %dma_wait3A_197 = arith.constant 0 : i32
      %dma_wait3A_198 = arith.constant 0 : i32
      %dma_wait3A_199 = arith.constant 0 : i32
      %dma_wait3A_200 = tpu.memref_slice %arg5[%dma_wait3A_197, %dma_wait3A_198, %dma_wait3A_199] : memref<1x50x1000xf32, #tpu.memory_space<vmem>> -> memref<1x24x1000xf32, #tpu.memory_space<vmem>>
      %dma_wait3A_201 = arith.constant 0 : i32
      %dma_wait3A_202 = arith.constant 0 : i32
      %dma_wait3A_203 = tpu.memref_slice %arg3[%add3A_196, %dma_wait3A_201, %dma_wait3A_202] : memref<1024x50x1000xf32, #tpu.memory_space<hbm>> -> memref<1x24x1000xf32, #tpu.memory_space<hbm>>
      %dma_wait3A_204 = arith.constant 0 : i32
      %dma_wait3A_205 = arith.constant 0 : i32
      %dma_wait3A_206 = tpu.memref_slice %arg3[%add3A_196, %dma_wait3A_204, %dma_wait3A_205] : memref<1024x50x1000xf32, #tpu.memory_space<hbm>> -> memref<1x24x1000xf32, #tpu.memory_space<hbm>>
      %dma_wait3A_207 = arith.constant 0 : i32
      %dma_wait3A_208 = arith.constant 0 : i32
      %dma_wait3A_209 = arith.constant 0 : i32
      %dma_wait3A_210 = tpu.memref_slice %arg5[%dma_wait3A_207, %dma_wait3A_208, %dma_wait3A_209] : memref<1x50x1000xf32, #tpu.memory_space<vmem>> -> memref<1x24x1000xf32, #tpu.memory_space<vmem>>
      tpu.wait_dma2 semaphore(%arg7 : memref<!tpu.dma_semaphore, #tpu.memory_space<semaphore_mem>>) src(%dma_wait3A_210 : memref<1x24x1000xf32, #tpu.memory_space<vmem>>) dst(%dma_wait3A_206 : memref<1x24x1000xf32, #tpu.memory_space<hbm>>)
      %add3A_211 = arith.addi %mul3A_2, %add3A_195 : i32
      %dma_wait3A_212 = arith.constant 0 : i32
      %dma_wait3A_213 = arith.constant 24 : i32
      %dma_wait3A_214 = arith.constant 0 : i32
      %dma_wait3A_215 = tpu.memref_slice %arg5[%dma_wait3A_212, %dma_wait3A_213, %dma_wait3A_214] : memref<1x50x1000xf32, #tpu.memory_space<vmem>> -> memref<1x26x1000xf32, #tpu.memory_space<vmem>>
      %dma_wait3A_216 = arith.constant 24 : i32
      %dma_wait3A_217 = arith.constant 0 : i32
      %dma_wait3A_218 = tpu.memref_slice %arg3[%add3A_211, %dma_wait3A_216, %dma_wait3A_217] : memref<1024x50x1000xf32, #tpu.memory_space<hbm>> -> memref<1x26x1000xf32, #tpu.memory_space<hbm>>
      %dma_wait3A_219 = arith.constant 24 : i32
      %dma_wait3A_220 = arith.constant 0 : i32
      %dma_wait3A_221 = tpu.memref_slice %arg3[%add3A_211, %dma_wait3A_219, %dma_wait3A_220] : memref<1024x50x1000xf32, #tpu.memory_space<hbm>> -> memref<1x26x1000xf32, #tpu.memory_space<hbm>>
      %dma_wait3A_222 = arith.constant 0 : i32
      %dma_wait3A_223 = arith.constant 24 : i32
      %dma_wait3A_224 = arith.constant 0 : i32
      %dma_wait3A_225 = tpu.memref_slice %arg5[%dma_wait3A_222, %dma_wait3A_223, %dma_wait3A_224] : memref<1x50x1000xf32, #tpu.memory_space<vmem>> -> memref<1x26x1000xf32, #tpu.memory_space<vmem>>
      tpu.wait_dma2 semaphore(%arg7 : memref<!tpu.dma_semaphore, #tpu.memory_space<semaphore_mem>>) src(%dma_wait3A_225 : memref<1x26x1000xf32, #tpu.memory_space<vmem>>) dst(%dma_wait3A_221 : memref<1x26x1000xf32, #tpu.memory_space<hbm>>)
      %sub3A_226 = arith.constant 2 : i32
      %sub3A_227 = arith.subi %add3A_195, %sub3A_226 : i32
      %mul3A_228 = arith.constant 50 : i32
      %mul3A_229 = arith.muli %sub3A_227, %mul3A_228 : i32
      %add3A_230 = arith.constant 0 : i32
      %add3A_231 = arith.addi %mul3A_229, %add3A_230 : i32
      %get3A_232 = arith.index_cast %add3A_231 : i32 to index
      %get3A_233 = tpu.vector_load %arg4[%get3A_232] {strides = array<i32>} : memref<1616xi32, #tpu.memory_space<vmem>>, vector<16xi32>,
      %add3A_234 = arith.constant 0 : i32
      %add3A_235 = vector.broadcast %add3A_234 : i32 to vector<16xi32>
      %add3A_236 = arith.addi %iota3A, %add3A_235 : vector<16xi32>
      tpu.vector_store_idx %arg5[%sub3A, %add3A_236, %get3A_233], %broadcast_in_dim3A_8 : memref<1x50x1000xf32, #tpu.memory_space<vmem>>[vector<16xi32>, vector<16xi32>, vector<16xi32>], vector<16xf32>,
      %mul3A_237 = arith.constant 50 : i32
      %mul3A_238 = arith.muli %sub3A_227, %mul3A_237 : i32
      %add3A_239 = arith.constant 16 : i32
      %add3A_240 = arith.addi %mul3A_238, %add3A_239 : i32
      %get3A_241 = arith.index_cast %add3A_240 : i32 to index
      %get3A_242 = tpu.vector_load %arg4[%get3A_241] {strides = array<i32>} : memref<1616xi32, #tpu.memory_space<vmem>>, vector<16xi32>,
      %add3A_243 = arith.constant 16 : i32
      %add3A_244 = vector.broadcast %add3A_243 : i32 to vector<16xi32>
      %add3A_245 = arith.addi %iota3A, %add3A_244 : vector<16xi32>
      tpu.vector_store_idx %arg5[%sub3A, %add3A_245, %get3A_242], %broadcast_in_dim3A_8 : memref<1x50x1000xf32, #tpu.memory_space<vmem>>[vector<16xi32>, vector<16xi32>, vector<16xi32>], vector<16xf32>,
      %mul3A_246 = arith.constant 50 : i32
      %mul3A_247 = arith.muli %sub3A_227, %mul3A_246 : i32
      %add3A_248 = arith.constant 32 : i32
      %add3A_249 = arith.addi %mul3A_247, %add3A_248 : i32
      %get3A_250 = arith.index_cast %add3A_249 : i32 to index
      %get3A_251 = tpu.vector_load %arg4[%get3A_250] {strides = array<i32>} : memref<1616xi32, #tpu.memory_space<vmem>>, vector<16xi32>,
      %add3A_252 = arith.constant 32 : i32
      %add3A_253 = vector.broadcast %add3A_252 : i32 to vector<16xi32>
      %add3A_254 = arith.addi %iota3A, %add3A_253 : vector<16xi32>
      tpu.vector_store_idx %arg5[%sub3A, %add3A_254, %get3A_251], %broadcast_in_dim3A_8 : memref<1x50x1000xf32, #tpu.memory_space<vmem>>[vector<16xi32>, vector<16xi32>, vector<16xi32>], vector<16xf32>,
      %mul3A_255 = arith.constant 50 : i32
      %mul3A_256 = arith.muli %sub3A_227, %mul3A_255 : i32
      %add3A_257 = arith.constant 48 : i32
      %add3A_258 = arith.addi %mul3A_256, %add3A_257 : i32
      %get3A_259 = arith.index_cast %add3A_258 : i32 to index
      %get3A_260 = tpu.vector_load %arg4[%get3A_259] {strides = array<i32>} : memref<1616xi32, #tpu.memory_space<vmem>>, vector<16xi32>,
      %add3A_261 = arith.constant 48 : i32
      %add3A_262 = vector.broadcast %add3A_261 : i32 to vector<16xi32>
      %add3A_263 = arith.addi %iota3A, %add3A_262 : vector<16xi32>
      tpu.vector_store_idx %arg5[%sub3A, %add3A_263, %get3A_260], %broadcast_in_dim3A_8 masked %lt3A_12 : memref<1x50x1000xf32, #tpu.memory_space<vmem>>[vector<16xi32>, vector<16xi32>, vector<16xi32>], vector<16xf32>, vector<16xi1>
      %mul3A_264 = arith.constant 50 : i32
      %mul3A_265 = arith.muli %add3A_195, %mul3A_264 : i32
      %add3A_266 = arith.constant 0 : i32
      %add3A_267 = arith.addi %mul3A_265, %add3A_266 : i32
      %get3A_268 = arith.index_cast %add3A_267 : i32 to index
      %get3A_269 = tpu.vector_load %arg4[%get3A_268] {strides = array<i32>} : memref<1616xi32, #tpu.memory_space<vmem>>, vector<16xi32>,
      %add3A_270 = arith.constant 0 : i32
      %add3A_271 = vector.broadcast %add3A_270 : i32 to vector<16xi32>
      %add3A_272 = arith.addi %iota3A, %add3A_271 : vector<16xi32>
      tpu.vector_store_idx %arg5[%sub3A, %add3A_272, %get3A_269], %broadcast_in_dim3A_10 : memref<1x50x1000xf32, #tpu.memory_space<vmem>>[vector<16xi32>, vector<16xi32>, vector<16xi32>], vector<16xf32>,
      %mul3A_273 = arith.constant 50 : i32
      %mul3A_274 = arith.muli %add3A_195, %mul3A_273 : i32
      %add3A_275 = arith.constant 16 : i32
      %add3A_276 = arith.addi %mul3A_274, %add3A_275 : i32
      %get3A_277 = arith.index_cast %add3A_276 : i32 to index
      %get3A_278 = tpu.vector_load %arg4[%get3A_277] {strides = array<i32>} : memref<1616xi32, #tpu.memory_space<vmem>>, vector<16xi32>,
      %add3A_279 = arith.constant 16 : i32
      %add3A_280 = vector.broadcast %add3A_279 : i32 to vector<16xi32>
      %add3A_281 = arith.addi %iota3A, %add3A_280 : vector<16xi32>
      tpu.vector_store_idx %arg5[%sub3A, %add3A_281, %get3A_278], %broadcast_in_dim3A_10 : memref<1x50x1000xf32, #tpu.memory_space<vmem>>[vector<16xi32>, vector<16xi32>, vector<16xi32>], vector<16xf32>,
      %mul3A_282 = arith.constant 50 : i32
      %mul3A_283 = arith.muli %add3A_195, %mul3A_282 : i32
      %add3A_284 = arith.constant 32 : i32
      %add3A_285 = arith.addi %mul3A_283, %add3A_284 : i32
      %get3A_286 = arith.index_cast %add3A_285 : i32 to index
      %get3A_287 = tpu.vector_load %arg4[%get3A_286] {strides = array<i32>} : memref<1616xi32, #tpu.memory_space<vmem>>, vector<16xi32>,
      %add3A_288 = arith.constant 32 : i32
      %add3A_289 = vector.broadcast %add3A_288 : i32 to vector<16xi32>
      %add3A_290 = arith.addi %iota3A, %add3A_289 : vector<16xi32>
      tpu.vector_store_idx %arg5[%sub3A, %add3A_290, %get3A_287], %broadcast_in_dim3A_10 : memref<1x50x1000xf32, #tpu.memory_space<vmem>>[vector<16xi32>, vector<16xi32>, vector<16xi32>], vector<16xf32>,
      %mul3A_291 = arith.constant 50 : i32
      %mul3A_292 = arith.muli %add3A_195, %mul3A_291 : i32
      %add3A_293 = arith.constant 48 : i32
      %add3A_294 = arith.addi %mul3A_292, %add3A_293 : i32
      %get3A_295 = arith.index_cast %add3A_294 : i32 to index
      %get3A_296 = tpu.vector_load %arg4[%get3A_295] {strides = array<i32>} : memref<1616xi32, #tpu.memory_space<vmem>>, vector<16xi32>,
      %add3A_297 = arith.constant 48 : i32
      %add3A_298 = vector.broadcast %add3A_297 : i32 to vector<16xi32>
      %add3A_299 = arith.addi %iota3A, %add3A_298 : vector<16xi32>
      tpu.vector_store_idx %arg5[%sub3A, %add3A_299, %get3A_296], %broadcast_in_dim3A_10 masked %lt3A_12 : memref<1x50x1000xf32, #tpu.memory_space<vmem>>[vector<16xi32>, vector<16xi32>, vector<16xi32>], vector<16xf32>, vector<16xi1>
      %add3A_300 = arith.addi %mul3A_2, %add3A_195 : i32
      %dma_start3A_301 = arith.constant 0 : i32
      %dma_start3A_302 = arith.constant 0 : i32
      %dma_start3A_303 = arith.constant 0 : i32
      %dma_start3A_304 = tpu.memref_slice %arg5[%dma_start3A_301, %dma_start3A_302, %dma_start3A_303] : memref<1x50x1000xf32, #tpu.memory_space<vmem>> -> memref<1x24x1000xf32, #tpu.memory_space<vmem>>
      %dma_start3A_305 = arith.constant 0 : i32
      %dma_start3A_306 = arith.constant 0 : i32
      %dma_start3A_307 = tpu.memref_slice %arg3[%add3A_300, %dma_start3A_305, %dma_start3A_306] : memref<1024x50x1000xf32, #tpu.memory_space<hbm>> -> memref<1x24x1000xf32, #tpu.memory_space<hbm>>
      %dma_start3A_308 = arith.constant 0 : i32
      %dma_start3A_309 = arith.constant 0 : i32
      %dma_start3A_310 = tpu.memref_slice %arg3[%add3A_300, %dma_start3A_308, %dma_start3A_309] : memref<1024x50x1000xf32, #tpu.memory_space<hbm>> -> memref<1x24x1000xf32, #tpu.memory_space<hbm>>
      %dma_start3A_311 = arith.constant 0 : i32
      %dma_start3A_312 = arith.constant 0 : i32
      %dma_start3A_313 = arith.constant 0 : i32
      %dma_start3A_314 = tpu.memref_slice %arg5[%dma_start3A_311, %dma_start3A_312, %dma_start3A_313] : memref<1x50x1000xf32, #tpu.memory_space<vmem>> -> memref<1x24x1000xf32, #tpu.memory_space<vmem>>
      tpu.enqueue_dma source(%dma_start3A_314 : memref<1x24x1000xf32, #tpu.memory_space<vmem>>) target(%dma_start3A_310 : memref<1x24x1000xf32, #tpu.memory_space<hbm>>) target_semaphore(%arg7 : memref<!tpu.dma_semaphore, #tpu.memory_space<semaphore_mem>>)
      %add3A_315 = arith.addi %mul3A_2, %add3A_195 : i32
      %dma_start3A_316 = arith.constant 0 : i32
      %dma_start3A_317 = arith.constant 24 : i32
      %dma_start3A_318 = arith.constant 0 : i32
      %dma_start3A_319 = tpu.memref_slice %arg5[%dma_start3A_316, %dma_start3A_317, %dma_start3A_318] : memref<1x50x1000xf32, #tpu.memory_space<vmem>> -> memref<1x26x1000xf32, #tpu.memory_space<vmem>>
      %dma_start3A_320 = arith.constant 24 : i32
      %dma_start3A_321 = arith.constant 0 : i32
      %dma_start3A_322 = tpu.memref_slice %arg3[%add3A_315, %dma_start3A_320, %dma_start3A_321] : memref<1024x50x1000xf32, #tpu.memory_space<hbm>> -> memref<1x26x1000xf32, #tpu.memory_space<hbm>>
      %dma_start3A_323 = arith.constant 24 : i32
      %dma_start3A_324 = arith.constant 0 : i32
      %dma_start3A_325 = tpu.memref_slice %arg3[%add3A_315, %dma_start3A_323, %dma_start3A_324] : memref<1024x50x1000xf32, #tpu.memory_space<hbm>> -> memref<1x26x1000xf32, #tpu.memory_space<hbm>>
      %dma_start3A_326 = arith.constant 0 : i32
      %dma_start3A_327 = arith.constant 24 : i32
      %dma_start3A_328 = arith.constant 0 : i32
      %dma_start3A_329 = tpu.memref_slice %arg5[%dma_start3A_326, %dma_start3A_327, %dma_start3A_328] : memref<1x50x1000xf32, #tpu.memory_space<vmem>> -> memref<1x26x1000xf32, #tpu.memory_space<vmem>>
      tpu.enqueue_dma source(%dma_start3A_329 : memref<1x26x1000xf32, #tpu.memory_space<vmem>>) target(%dma_start3A_325 : memref<1x26x1000xf32, #tpu.memory_space<hbm>>) target_semaphore(%arg7 : memref<!tpu.dma_semaphore, #tpu.memory_space<semaphore_mem>>)
      %mul3A_330 = arith.constant 2 : i32
      %mul3A_331 = arith.muli %mul3A_330, %scan3A_189 : i32
      %add3A_332 = arith.constant 2 : i32
      %add3A_333 = arith.addi %mul3A_331, %add3A_332 : i32
      %add3A_334 = arith.constant 1 : i32
      %add3A_335 = arith.addi %add3A_333, %add3A_334 : i32
      %add3A_336 = arith.addi %mul3A_2, %add3A_335 : i32
      %dma_wait3A_337 = arith.constant 0 : i32
      %dma_wait3A_338 = arith.constant 0 : i32
      %dma_wait3A_339 = arith.constant 0 : i32
      %dma_wait3A_340 = tpu.memref_slice %arg6[%dma_wait3A_337, %dma_wait3A_338, %dma_wait3A_339] : memref<1x50x1000xf32, #tpu.memory_space<vmem>> -> memref<1x24x1000xf32, #tpu.memory_space<vmem>>
      %dma_wait3A_341 = arith.constant 0 : i32
      %dma_wait3A_342 = arith.constant 0 : i32
      %dma_wait3A_343 = tpu.memref_slice %arg3[%add3A_336, %dma_wait3A_341, %dma_wait3A_342] : memref<1024x50x1000xf32, #tpu.memory_space<hbm>> -> memref<1x24x1000xf32, #tpu.memory_space<hbm>>
      %dma_wait3A_344 = arith.constant 0 : i32
      %dma_wait3A_345 = arith.constant 0 : i32
      %dma_wait3A_346 = tpu.memref_slice %arg3[%add3A_336, %dma_wait3A_344, %dma_wait3A_345] : memref<1024x50x1000xf32, #tpu.memory_space<hbm>> -> memref<1x24x1000xf32, #tpu.memory_space<hbm>>
      %dma_wait3A_347 = arith.constant 0 : i32
      %dma_wait3A_348 = arith.constant 0 : i32
      %dma_wait3A_349 = arith.constant 0 : i32
      %dma_wait3A_350 = tpu.memref_slice %arg6[%dma_wait3A_347, %dma_wait3A_348, %dma_wait3A_349] : memref<1x50x1000xf32, #tpu.memory_space<vmem>> -> memref<1x24x1000xf32, #tpu.memory_space<vmem>>
      tpu.wait_dma2 semaphore(%arg8 : memref<!tpu.dma_semaphore, #tpu.memory_space<semaphore_mem>>) src(%dma_wait3A_350 : memref<1x24x1000xf32, #tpu.memory_space<vmem>>) dst(%dma_wait3A_346 : memref<1x24x1000xf32, #tpu.memory_space<hbm>>)
      %add3A_351 = arith.addi %mul3A_2, %add3A_335 : i32
      %dma_wait3A_352 = arith.constant 0 : i32
      %dma_wait3A_353 = arith.constant 24 : i32
      %dma_wait3A_354 = arith.constant 0 : i32
      %dma_wait3A_355 = tpu.memref_slice %arg6[%dma_wait3A_352, %dma_wait3A_353, %dma_wait3A_354] : memref<1x50x1000xf32, #tpu.memory_space<vmem>> -> memref<1x26x1000xf32, #tpu.memory_space<vmem>>
      %dma_wait3A_356 = arith.constant 24 : i32
      %dma_wait3A_357 = arith.constant 0 : i32
      %dma_wait3A_358 = tpu.memref_slice %arg3[%add3A_351, %dma_wait3A_356, %dma_wait3A_357] : memref<1024x50x1000xf32, #tpu.memory_space<hbm>> -> memref<1x26x1000xf32, #tpu.memory_space<hbm>>
      %dma_wait3A_359 = arith.constant 24 : i32
      %dma_wait3A_360 = arith.constant 0 : i32
      %dma_wait3A_361 = tpu.memref_slice %arg3[%add3A_351, %dma_wait3A_359, %dma_wait3A_360] : memref<1024x50x1000xf32, #tpu.memory_space<hbm>> -> memref<1x26x1000xf32, #tpu.memory_space<hbm>>
      %dma_wait3A_362 = arith.constant 0 : i32
      %dma_wait3A_363 = arith.constant 24 : i32
      %dma_wait3A_364 = arith.constant 0 : i32
      %dma_wait3A_365 = tpu.memref_slice %arg6[%dma_wait3A_362, %dma_wait3A_363, %dma_wait3A_364] : memref<1x50x1000xf32, #tpu.memory_space<vmem>> -> memref<1x26x1000xf32, #tpu.memory_space<vmem>>
      tpu.wait_dma2 semaphore(%arg8 : memref<!tpu.dma_semaphore, #tpu.memory_space<semaphore_mem>>) src(%dma_wait3A_365 : memref<1x26x1000xf32, #tpu.memory_space<vmem>>) dst(%dma_wait3A_361 : memref<1x26x1000xf32, #tpu.memory_space<hbm>>)
      %sub3A_366 = arith.constant 2 : i32
      %sub3A_367 = arith.subi %add3A_335, %sub3A_366 : i32
      %mul3A_368 = arith.constant 50 : i32
      %mul3A_369 = arith.muli %sub3A_367, %mul3A_368 : i32
      %add3A_370 = arith.constant 0 : i32
      %add3A_371 = arith.addi %mul3A_369, %add3A_370 : i32
      %get3A_372 = arith.index_cast %add3A_371 : i32 to index
      %get3A_373 = tpu.vector_load %arg4[%get3A_372] {strides = array<i32>} : memref<1616xi32, #tpu.memory_space<vmem>>, vector<16xi32>,
      %add3A_374 = arith.constant 0 : i32
      %add3A_375 = vector.broadcast %add3A_374 : i32 to vector<16xi32>
      %add3A_376 = arith.addi %iota3A, %add3A_375 : vector<16xi32>
      tpu.vector_store_idx %arg6[%sub3A, %add3A_376, %get3A_373], %broadcast_in_dim3A_8 : memref<1x50x1000xf32, #tpu.memory_space<vmem>>[vector<16xi32>, vector<16xi32>, vector<16xi32>], vector<16xf32>,
      %mul3A_377 = arith.constant 50 : i32
      %mul3A_378 = arith.muli %sub3A_367, %mul3A_377 : i32
      %add3A_379 = arith.constant 16 : i32
      %add3A_380 = arith.addi %mul3A_378, %add3A_379 : i32
      %get3A_381 = arith.index_cast %add3A_380 : i32 to index
      %get3A_382 = tpu.vector_load %arg4[%get3A_381] {strides = array<i32>} : memref<1616xi32, #tpu.memory_space<vmem>>, vector<16xi32>,
      %add3A_383 = arith.constant 16 : i32
      %add3A_384 = vector.broadcast %add3A_383 : i32 to vector<16xi32>
      %add3A_385 = arith.addi %iota3A, %add3A_384 : vector<16xi32>
      tpu.vector_store_idx %arg6[%sub3A, %add3A_385, %get3A_382], %broadcast_in_dim3A_8 : memref<1x50x1000xf32, #tpu.memory_space<vmem>>[vector<16xi32>, vector<16xi32>, vector<16xi32>], vector<16xf32>,
      %mul3A_386 = arith.constant 50 : i32
      %mul3A_387 = arith.muli %sub3A_367, %mul3A_386 : i32
      %add3A_388 = arith.constant 32 : i32
      %add3A_389 = arith.addi %mul3A_387, %add3A_388 : i32
      %get3A_390 = arith.index_cast %add3A_389 : i32 to index
      %get3A_391 = tpu.vector_load %arg4[%get3A_390] {strides = array<i32>} : memref<1616xi32, #tpu.memory_space<vmem>>, vector<16xi32>,
      %add3A_392 = arith.constant 32 : i32
      %add3A_393 = vector.broadcast %add3A_392 : i32 to vector<16xi32>
      %add3A_394 = arith.addi %iota3A, %add3A_393 : vector<16xi32>
      tpu.vector_store_idx %arg6[%sub3A, %add3A_394, %get3A_391], %broadcast_in_dim3A_8 : memref<1x50x1000xf32, #tpu.memory_space<vmem>>[vector<16xi32>, vector<16xi32>, vector<16xi32>], vector<16xf32>,
      %mul3A_395 = arith.constant 50 : i32
      %mul3A_396 = arith.muli %sub3A_367, %mul3A_395 : i32
      %add3A_397 = arith.constant 48 : i32
      %add3A_398 = arith.addi %mul3A_396, %add3A_397 : i32
      %get3A_399 = arith.index_cast %add3A_398 : i32 to index
      %get3A_400 = tpu.vector_load %arg4[%get3A_399] {strides = array<i32>} : memref<1616xi32, #tpu.memory_space<vmem>>, vector<16xi32>,
      %add3A_401 = arith.constant 48 : i32
      %add3A_402 = vector.broadcast %add3A_401 : i32 to vector<16xi32>
      %add3A_403 = arith.addi %iota3A, %add3A_402 : vector<16xi32>
      tpu.vector_store_idx %arg6[%sub3A, %add3A_403, %get3A_400], %broadcast_in_dim3A_8 masked %lt3A_12 : memref<1x50x1000xf32, #tpu.memory_space<vmem>>[vector<16xi32>, vector<16xi32>, vector<16xi32>], vector<16xf32>, vector<16xi1>
      %mul3A_404 = arith.constant 50 : i32
      %mul3A_405 = arith.muli %add3A_335, %mul3A_404 : i32
      %add3A_406 = arith.constant 0 : i32
      %add3A_407 = arith.addi %mul3A_405, %add3A_406 : i32
      %get3A_408 = arith.index_cast %add3A_407 : i32 to index
      %get3A_409 = tpu.vector_load %arg4[%get3A_408] {strides = array<i32>} : memref<1616xi32, #tpu.memory_space<vmem>>, vector<16xi32>,
      %add3A_410 = arith.constant 0 : i32
      %add3A_411 = vector.broadcast %add3A_410 : i32 to vector<16xi32>
      %add3A_412 = arith.addi %iota3A, %add3A_411 : vector<16xi32>
      tpu.vector_store_idx %arg6[%sub3A, %add3A_412, %get3A_409], %broadcast_in_dim3A_10 : memref<1x50x1000xf32, #tpu.memory_space<vmem>>[vector<16xi32>, vector<16xi32>, vector<16xi32>], vector<16xf32>,
      %mul3A_413 = arith.constant 50 : i32
      %mul3A_414 = arith.muli %add3A_335, %mul3A_413 : i32
      %add3A_415 = arith.constant 16 : i32
      %add3A_416 = arith.addi %mul3A_414, %add3A_415 : i32
      %get3A_417 = arith.index_cast %add3A_416 : i32 to index
      %get3A_418 = tpu.vector_load %arg4[%get3A_417] {strides = array<i32>} : memref<1616xi32, #tpu.memory_space<vmem>>, vector<16xi32>,
      %add3A_419 = arith.constant 16 : i32
      %add3A_420 = vector.broadcast %add3A_419 : i32 to vector<16xi32>
      %add3A_421 = arith.addi %iota3A, %add3A_420 : vector<16xi32>
      tpu.vector_store_idx %arg6[%sub3A, %add3A_421, %get3A_418], %broadcast_in_dim3A_10 : memref<1x50x1000xf32, #tpu.memory_space<vmem>>[vector<16xi32>, vector<16xi32>, vector<16xi32>], vector<16xf32>,
      %mul3A_422 = arith.constant 50 : i32
      %mul3A_423 = arith.muli %add3A_335, %mul3A_422 : i32
      %add3A_424 = arith.constant 32 : i32
      %add3A_425 = arith.addi %mul3A_423, %add3A_424 : i32
      %get3A_426 = arith.index_cast %add3A_425 : i32 to index
      %get3A_427 = tpu.vector_load %arg4[%get3A_426] {strides = array<i32>} : memref<1616xi32, #tpu.memory_space<vmem>>, vector<16xi32>,
      %add3A_428 = arith.constant 32 : i32
      %add3A_429 = vector.broadcast %add3A_428 : i32 to vector<16xi32>
      %add3A_430 = arith.addi %iota3A, %add3A_429 : vector<16xi32>
      tpu.vector_store_idx %arg6[%sub3A, %add3A_430, %get3A_427], %broadcast_in_dim3A_10 : memref<1x50x1000xf32, #tpu.memory_space<vmem>>[vector<16xi32>, vector<16xi32>, vector<16xi32>], vector<16xf32>,
      %mul3A_431 = arith.constant 50 : i32
      %mul3A_432 = arith.muli %add3A_335, %mul3A_431 : i32
      %add3A_433 = arith.constant 48 : i32
      %add3A_434 = arith.addi %mul3A_432, %add3A_433 : i32
      %get3A_435 = arith.index_cast %add3A_434 : i32 to index
      %get3A_436 = tpu.vector_load %arg4[%get3A_435] {strides = array<i32>} : memref<1616xi32, #tpu.memory_space<vmem>>, vector<16xi32>,
      %add3A_437 = arith.constant 48 : i32
      %add3A_438 = vector.broadcast %add3A_437 : i32 to vector<16xi32>
      %add3A_439 = arith.addi %iota3A, %add3A_438 : vector<16xi32>
      tpu.vector_store_idx %arg6[%sub3A, %add3A_439, %get3A_436], %broadcast_in_dim3A_10 masked %lt3A_12 : memref<1x50x1000xf32, #tpu.memory_space<vmem>>[vector<16xi32>, vector<16xi32>, vector<16xi32>], vector<16xf32>, vector<16xi1>
      %add3A_440 = arith.addi %mul3A_2, %add3A_335 : i32
      %dma_start3A_441 = arith.constant 0 : i32
      %dma_start3A_442 = arith.constant 0 : i32
      %dma_start3A_443 = arith.constant 0 : i32
      %dma_start3A_444 = tpu.memref_slice %arg6[%dma_start3A_441, %dma_start3A_442, %dma_start3A_443] : memref<1x50x1000xf32, #tpu.memory_space<vmem>> -> memref<1x24x1000xf32, #tpu.memory_space<vmem>>
      %dma_start3A_445 = arith.constant 0 : i32
      %dma_start3A_446 = arith.constant 0 : i32
      %dma_start3A_447 = tpu.memref_slice %arg3[%add3A_440, %dma_start3A_445, %dma_start3A_446] : memref<1024x50x1000xf32, #tpu.memory_space<hbm>> -> memref<1x24x1000xf32, #tpu.memory_space<hbm>>
      %dma_start3A_448 = arith.constant 0 : i32
      %dma_start3A_449 = arith.constant 0 : i32
      %dma_start3A_450 = tpu.memref_slice %arg3[%add3A_440, %dma_start3A_448, %dma_start3A_449] : memref<1024x50x1000xf32, #tpu.memory_space<hbm>> -> memref<1x24x1000xf32, #tpu.memory_space<hbm>>
      %dma_start3A_451 = arith.constant 0 : i32
      %dma_start3A_452 = arith.constant 0 : i32
      %dma_start3A_453 = arith.constant 0 : i32
      %dma_start3A_454 = tpu.memref_slice %arg6[%dma_start3A_451, %dma_start3A_452, %dma_start3A_453] : memref<1x50x1000xf32, #tpu.memory_space<vmem>> -> memref<1x24x1000xf32, #tpu.memory_space<vmem>>
      tpu.enqueue_dma source(%dma_start3A_454 : memref<1x24x1000xf32, #tpu.memory_space<vmem>>) target(%dma_start3A_450 : memref<1x24x1000xf32, #tpu.memory_space<hbm>>) target_semaphore(%arg8 : memref<!tpu.dma_semaphore, #tpu.memory_space<semaphore_mem>>)
      %add3A_455 = arith.addi %mul3A_2, %add3A_335 : i32
      %dma_start3A_456 = arith.constant 0 : i32
      %dma_start3A_457 = arith.constant 24 : i32
      %dma_start3A_458 = arith.constant 0 : i32
      %dma_start3A_459 = tpu.memref_slice %arg6[%dma_start3A_456, %dma_start3A_457, %dma_start3A_458] : memref<1x50x1000xf32, #tpu.memory_space<vmem>> -> memref<1x26x1000xf32, #tpu.memory_space<vmem>>
      %dma_start3A_460 = arith.constant 24 : i32
      %dma_start3A_461 = arith.constant 0 : i32
      %dma_start3A_462 = tpu.memref_slice %arg3[%add3A_455, %dma_start3A_460, %dma_start3A_461] : memref<1024x50x1000xf32, #tpu.memory_space<hbm>> -> memref<1x26x1000xf32, #tpu.memory_space<hbm>>
      %dma_start3A_463 = arith.constant 24 : i32
      %dma_start3A_464 = arith.constant 0 : i32
      %dma_start3A_465 = tpu.memref_slice %arg3[%add3A_455, %dma_start3A_463, %dma_start3A_464] : memref<1024x50x1000xf32, #tpu.memory_space<hbm>> -> memref<1x26x1000xf32, #tpu.memory_space<hbm>>
      %dma_start3A_466 = arith.constant 0 : i32
      %dma_start3A_467 = arith.constant 24 : i32
      %dma_start3A_468 = arith.constant 0 : i32
      %dma_start3A_469 = tpu.memref_slice %arg6[%dma_start3A_466, %dma_start3A_467, %dma_start3A_468] : memref<1x50x1000xf32, #tpu.memory_space<vmem>> -> memref<1x26x1000xf32, #tpu.memory_space<vmem>>
      tpu.enqueue_dma source(%dma_start3A_469 : memref<1x26x1000xf32, #tpu.memory_space<vmem>>) target(%dma_start3A_465 : memref<1x26x1000xf32, #tpu.memory_space<hbm>>) target_semaphore(%arg8 : memref<!tpu.dma_semaphore, #tpu.memory_space<semaphore_mem>>)
    }
    %scan3A_125 = arith.constant 15 : i32
    %add3A_126 = arith.constant 0 : i32
    %add3A_127 = arith.addi %mul3A_2, %add3A_126 : i32
    %dma_wait3A = arith.constant 0 : i32
    %dma_wait3A_128 = arith.constant 0 : i32
    %dma_wait3A_129 = arith.constant 0 : i32
    %dma_wait3A_130 = tpu.memref_slice %arg5[%dma_wait3A, %dma_wait3A_128, %dma_wait3A_129] : memref<1x50x1000xf32, #tpu.memory_space<vmem>> -> memref<1x24x1000xf32, #tpu.memory_space<vmem>>
    %dma_wait3A_131 = arith.constant 0 : i32
    %dma_wait3A_132 = arith.constant 0 : i32
    %dma_wait3A_133 = tpu.memref_slice %arg3[%add3A_127, %dma_wait3A_131, %dma_wait3A_132] : memref<1024x50x1000xf32, #tpu.memory_space<hbm>> -> memref<1x24x1000xf32, #tpu.memory_space<hbm>>
    %dma_wait3A_134 = arith.constant 0 : i32
    %dma_wait3A_135 = arith.constant 0 : i32
    %dma_wait3A_136 = tpu.memref_slice %arg3[%add3A_127, %dma_wait3A_134, %dma_wait3A_135] : memref<1024x50x1000xf32, #tpu.memory_space<hbm>> -> memref<1x24x1000xf32, #tpu.memory_space<hbm>>
    %dma_wait3A_137 = arith.constant 0 : i32
    %dma_wait3A_138 = arith.constant 0 : i32
    %dma_wait3A_139 = arith.constant 0 : i32
    %dma_wait3A_140 = tpu.memref_slice %arg5[%dma_wait3A_137, %dma_wait3A_138, %dma_wait3A_139] : memref<1x50x1000xf32, #tpu.memory_space<vmem>> -> memref<1x24x1000xf32, #tpu.memory_space<vmem>>
    tpu.wait_dma2 semaphore(%arg7 : memref<!tpu.dma_semaphore, #tpu.memory_space<semaphore_mem>>) src(%dma_wait3A_140 : memref<1x24x1000xf32, #tpu.memory_space<vmem>>) dst(%dma_wait3A_136 : memref<1x24x1000xf32, #tpu.memory_space<hbm>>)
    %add3A_141 = arith.constant 0 : i32
    %add3A_142 = arith.addi %mul3A_2, %add3A_141 : i32
    %dma_wait3A_143 = arith.constant 0 : i32
    %dma_wait3A_144 = arith.constant 24 : i32
    %dma_wait3A_145 = arith.constant 0 : i32
    %dma_wait3A_146 = tpu.memref_slice %arg5[%dma_wait3A_143, %dma_wait3A_144, %dma_wait3A_145] : memref<1x50x1000xf32, #tpu.memory_space<vmem>> -> memref<1x26x1000xf32, #tpu.memory_space<vmem>>
    %dma_wait3A_147 = arith.constant 24 : i32
    %dma_wait3A_148 = arith.constant 0 : i32
    %dma_wait3A_149 = tpu.memref_slice %arg3[%add3A_142, %dma_wait3A_147, %dma_wait3A_148] : memref<1024x50x1000xf32, #tpu.memory_space<hbm>> -> memref<1x26x1000xf32, #tpu.memory_space<hbm>>
    %dma_wait3A_150 = arith.constant 24 : i32
    %dma_wait3A_151 = arith.constant 0 : i32
    %dma_wait3A_152 = tpu.memref_slice %arg3[%add3A_142, %dma_wait3A_150, %dma_wait3A_151] : memref<1024x50x1000xf32, #tpu.memory_space<hbm>> -> memref<1x26x1000xf32, #tpu.memory_space<hbm>>
    %dma_wait3A_153 = arith.constant 0 : i32
    %dma_wait3A_154 = arith.constant 24 : i32
    %dma_wait3A_155 = arith.constant 0 : i32
    %dma_wait3A_156 = tpu.memref_slice %arg5[%dma_wait3A_153, %dma_wait3A_154, %dma_wait3A_155] : memref<1x50x1000xf32, #tpu.memory_space<vmem>> -> memref<1x26x1000xf32, #tpu.memory_space<vmem>>
    tpu.wait_dma2 semaphore(%arg7 : memref<!tpu.dma_semaphore, #tpu.memory_space<semaphore_mem>>) src(%dma_wait3A_156 : memref<1x26x1000xf32, #tpu.memory_space<vmem>>) dst(%dma_wait3A_152 : memref<1x26x1000xf32, #tpu.memory_space<hbm>>)
    %add3A_157 = arith.constant 1 : i32
    %add3A_158 = arith.addi %mul3A_2, %add3A_157 : i32
    %dma_wait3A_159 = arith.constant 0 : i32
    %dma_wait3A_160 = arith.constant 0 : i32
    %dma_wait3A_161 = arith.constant 0 : i32
    %dma_wait3A_162 = tpu.memref_slice %arg6[%dma_wait3A_159, %dma_wait3A_160, %dma_wait3A_161] : memref<1x50x1000xf32, #tpu.memory_space<vmem>> -> memref<1x24x1000xf32, #tpu.memory_space<vmem>>
    %dma_wait3A_163 = arith.constant 0 : i32
    %dma_wait3A_164 = arith.constant 0 : i32
    %dma_wait3A_165 = tpu.memref_slice %arg3[%add3A_158, %dma_wait3A_163, %dma_wait3A_164] : memref<1024x50x1000xf32, #tpu.memory_space<hbm>> -> memref<1x24x1000xf32, #tpu.memory_space<hbm>>
    %dma_wait3A_166 = arith.constant 0 : i32
    %dma_wait3A_167 = arith.constant 0 : i32
    %dma_wait3A_168 = tpu.memref_slice %arg3[%add3A_158, %dma_wait3A_166, %dma_wait3A_167] : memref<1024x50x1000xf32, #tpu.memory_space<hbm>> -> memref<1x24x1000xf32, #tpu.memory_space<hbm>>
    %dma_wait3A_169 = arith.constant 0 : i32
    %dma_wait3A_170 = arith.constant 0 : i32
    %dma_wait3A_171 = arith.constant 0 : i32
    %dma_wait3A_172 = tpu.memref_slice %arg6[%dma_wait3A_169, %dma_wait3A_170, %dma_wait3A_171] : memref<1x50x1000xf32, #tpu.memory_space<vmem>> -> memref<1x24x1000xf32, #tpu.memory_space<vmem>>
    tpu.wait_dma2 semaphore(%arg8 : memref<!tpu.dma_semaphore, #tpu.memory_space<semaphore_mem>>) src(%dma_wait3A_172 : memref<1x24x1000xf32, #tpu.memory_space<vmem>>) dst(%dma_wait3A_168 : memref<1x24x1000xf32, #tpu.memory_space<hbm>>)
    %add3A_173 = arith.constant 1 : i32
    %add3A_174 = arith.addi %mul3A_2, %add3A_173 : i32
    %dma_wait3A_175 = arith.constant 0 : i32
    %dma_wait3A_176 = arith.constant 24 : i32
    %dma_wait3A_177 = arith.constant 0 : i32
    %dma_wait3A_178 = tpu.memref_slice %arg6[%dma_wait3A_175, %dma_wait3A_176, %dma_wait3A_177] : memref<1x50x1000xf32, #tpu.memory_space<vmem>> -> memref<1x26x1000xf32, #tpu.memory_space<vmem>>
    %dma_wait3A_179 = arith.constant 24 : i32
    %dma_wait3A_180 = arith.constant 0 : i32
    %dma_wait3A_181 = tpu.memref_slice %arg3[%add3A_174, %dma_wait3A_179, %dma_wait3A_180] : memref<1024x50x1000xf32, #tpu.memory_space<hbm>> -> memref<1x26x1000xf32, #tpu.memory_space<hbm>>
    %dma_wait3A_182 = arith.constant 24 : i32
    %dma_wait3A_183 = arith.constant 0 : i32
    %dma_wait3A_184 = tpu.memref_slice %arg3[%add3A_174, %dma_wait3A_182, %dma_wait3A_183] : memref<1024x50x1000xf32, #tpu.memory_space<hbm>> -> memref<1x26x1000xf32, #tpu.memory_space<hbm>>
    %dma_wait3A_185 = arith.constant 0 : i32
    %dma_wait3A_186 = arith.constant 24 : i32
    %dma_wait3A_187 = arith.constant 0 : i32
    %dma_wait3A_188 = tpu.memref_slice %arg6[%dma_wait3A_185, %dma_wait3A_186, %dma_wait3A_187] : memref<1x50x1000xf32, #tpu.memory_space<vmem>> -> memref<1x26x1000xf32, #tpu.memory_space<vmem>>
    tpu.wait_dma2 semaphore(%arg8 : memref<!tpu.dma_semaphore, #tpu.memory_space<semaphore_mem>>) src(%dma_wait3A_188 : memref<1x26x1000xf32, #tpu.memory_space<vmem>>) dst(%dma_wait3A_184 : memref<1x26x1000xf32, #tpu.memory_space<hbm>>)
    return
  }
}

</mosaic_0001>

<sc_bundles>
// kernel: _onehot_sc.3.cloned.1.call-start
scs
__scs_entry_jumppad:
0x0: {  	(pc) =	sbr.rel $0x88, $3  }
0x1: {  	(tag) =	ssettag $0x0;
	lr =	simm.s32 $0x1  }
0x2: {  	[smem:$0x3FA0] =	sst lr;
	_ =	strace $0xD0000000  }
0x3: {  	_ = 	snop  }
0x4: {  	_ = 	snop  }
0x5: {  	_ = 	snop  }
0x6: {  	_ = 	snop  }
0x7: {  	_ = 	snop  }
__scs_overlays_trampoline_lowered:
0x8: {  	[smem:$0x3FAF] =	sst s0  }
0x9: {  	[smem:$0x3FB0] =	sst s1  }
0xa: {  	[smem:$0x3FB1] =	sst s2  }
0xb: {  	[smem:$0x3FB2] =	sst s3  }
0xc: {  	[smem:$0x3FB3] =	sst s4  }
0xd: {  	[smem:$0x3FB4] =	sst s5  }
0xe: {  	[smem:$0x3FB5] =	sst s6  }
0xf: {  	[smem:$0x3FB6] =	sst s7  }
0x10: {  	[smem:$0x3FB7] =	sst s8  }
0x11: {  	[smem:$0x3FB8] =	sst s9;
	s0 =	simm.s32 @!p0 $0x0  }
0x12: {  	s1 =	sld [smem:$0x3F9E];
	s0 =	simm.s32 @p0 $0x1  }
0x13: {  	[smem:$0x3FB9] =	sst s0;
	s0 =	simm.s32 @!p1 $0x0  }
0x14: {  	s2 =	sld [smem:$0x3F9D];
	s0 =	simm.s32 @p1 $0x1  }
0x15: {  	[smem:$0x3FBA] =	sst s0;
	s0 =	simm.s32 @!p2 $0x0  }
0x16: {  	s3 =	sld [smem:$0x3FDB];
	s0 =	simm.s32 @p2 $0x1  }
0x17: {  	s4 =	simm.s32 $0x1BF5;
	[smem:$0x3FBC] =	sst s0  }
0x18: {  	s0 =	sld [smem:$0x3F9F];
	_ =	swait.ge [sflag:s4], $0x0  }
0x19: {  	s7 =	sld [smem:$0x3FA0]  }
0x1a: {  	s8 =	sadd.s32 $0xFFFFE003, lr  }
0x1b: {  	s9 =	sadd.s32 $0xFFFFFEF7, lr;
	s5 =	simm.s32 $0xFFFFFFFF;
	p2 =	slt.u32 s8, $0xFFFFF086  }
0x1c: {  	p1 =	slt.u32 s9, $0xF7A;
	s5 =	simm.s32 @!p2 $0x0  }
0x1d: {  	s5 =	simm.s32 @p1 $0x1;
	p0 =	seq.s32 s7, s2  }
0x1e: {  	s7 =	smul.u32 @!p0 $0xF7A, s2;
	p2 =	seq.s32 @!p0 s5, $0x0  }
0x1f: {  	s9 =	smul.u32 $0xF7A, s1;
	s8 =	simm.s32 @!p0 $0x1BF5;
	p2 =	por !p2, p0  }
0x20: {  	[sflag:s8] =	ssyncset.s32 @!p0 $0xFFFFF086;
	s6 =	sadd.s32 @!p0 s3, s7;
	s7 =	simm.s32 @!p0 $0x108  }
0x21: {  	s3 =	sadd.s32 s3, s9;
	s6 =	sadd.s32 @!p0 $0x88, s6;
	s7 =	simm.s32 @p2 $0x1082  }
0x22: {  	[simem:s7], [sflag:s8] =	dma.local @!p0 [hbm:s6], $0xF7A  }
0x23: {  	s9 =	sor.u32 $0xD0000000, s2;
	s6 =	simm.s32 $0x108;
	_ =	swait.ge @!p0 [sflag:s8], $0x0  }
0x24: {  	s3 =	sadd.s32 $0x88, s3;
	s6 =	simm.s32 @!p1 $0x1082;
	[sflag:s4] =	ssyncset.s32 $0xFFFFF086  }
0x25: {  	[simem:s6], [sflag:s4] =	dma.local [hbm:s3], $0xF7A  }
0x26: {  	[smem:$0x3FA0] =	sst s1;
	(tag) =	ssettag s2;
	_ =	strace s9  }
0x27: {  	s1 =	sld [smem:$0x3FB0]  }
0x28: {  	s2 =	sld [smem:$0x3FB1]  }
0x29: {  	s4 =	sld [smem:$0x3FB3]  }
0x2a: {  	p0 =	seq.s32 s5, $0x0;
	s5 =	sld [smem:$0x3FB4]  }
0x2b: {  	s6 =	sld [smem:$0x3FB5]  }
0x2c: {  	s7 =	sld [smem:$0x3FB6]  }
0x2d: {  	s3 =	simm.s32 $0x108;
	s8 =	sld [smem:$0x3FB7]  }
0x2e: {  	s3 =	simm.s32 @!p0 $0x1082;
	s9 =	sld [smem:$0x3FB8]  }
0x2f: {  	lr =	sadd.s32 s0, s3;
	s0 =	sld [smem:$0x3FAF]  }
0x30: {  	s3 =	sld [smem:$0x3FB2]  }
0x31: {  	[smem:$0x3FBB] =	sst s10  }
0x32: {  	s10 =	sld [smem:$0x3FB9];
	_ =	sdelay $0x3  }
0x33: {  	p0 =	seq.s32 s10, $0x1;
	s10 =	sld [smem:$0x3FBB];
	_ =	sdelay $0x3  }
0x34: {  	[smem:$0x3FBB] =	sst s10  }
0x35: {  	s10 =	sld [smem:$0x3FBA];
	_ =	sdelay $0x3  }
0x36: {  	p1 =	seq.s32 s10, $0x1;
	s10 =	sld [smem:$0x3FBB];
	_ =	sdelay $0x3  }
0x37: {  	[smem:$0x3FBB] =	sst s10  }
0x38: {  	s10 =	sld [smem:$0x3FBC]  }
0x39: {  	_ = 	snop;
	(pc) =	sbr.ind lr, $3  }
0x3a: {  	_ = 	snop  }
0x3b: {  	_ = 	snop  }
0x3c: {  	p2 =	seq.s32 s10, $0x1;
	s10 =	sld [smem:$0x3FBB]  }
0x3d: {  	_ =	shalt  }
0x3e: {  	_ =	shalt  }
0x3f: {  	_ =	shalt  }
0x40: {  	_ =	shalt  }
0x41: {  	_ =	shalt  }
0x42: {  	_ =	shalt  }
0x43: {  	_ =	shalt  }
0x44: {  	_ =	shalt  }
0x45: {  	_ =	shalt  }
0x46: {  	_ =	shalt  }
0x47: {  	_ =	shalt  }
0x48: {  	_ =	shalt  }
0x49: {  	_ =	shalt  }
0x4a: {  	_ =	shalt  }
0x4b: {  	_ =	shalt  }
0x4c: {  	_ =	shalt  }
0x4d: {  	_ =	shalt  }
0x4e: {  	_ =	shalt  }
0x4f: {  	_ =	shalt  }
0x50: {  	_ =	shalt  }
0x51: {  	_ =	shalt  }
0x52: {  	_ =	shalt  }
0x53: {  	_ =	shalt  }
0x54: {  	_ =	shalt  }
0x55: {  	_ =	shalt  }
0x56: {  	_ =	shalt  }
0x57: {  	_ =	shalt  }
0x58: {  	_ =	shalt  }
0x59: {  	_ =	shalt  }
0x5a: {  	_ =	shalt  }
0x5b: {  	_ =	shalt  }
0x5c: {  	_ =	shalt  }
0x5d: {  	_ =	shalt  }
0x5e: {  	_ =	shalt  }
0x5f: {  	_ =	shalt  }
0x60: {  	_ =	shalt  }
0x61: {  	_ =	shalt  }
0x62: {  	_ =	shalt  }
0x63: {  	_ =	shalt  }
0x64: {  	_ =	shalt  }
0x65: {  	_ =	shalt  }
0x66: {  	_ =	shalt  }
0x67: {  	_ =	shalt  }
0x68: {  	_ =	shalt  }
0x69: {  	_ =	shalt  }
0x6a: {  	_ =	shalt  }
0x6b: {  	_ =	shalt  }
0x6c: {  	_ =	shalt  }
0x6d: {  	_ =	shalt  }
0x6e: {  	_ =	shalt  }
0x6f: {  	_ =	shalt  }
0x70: {  	_ =	shalt  }
0x71: {  	_ =	shalt  }
0x72: {  	_ =	shalt  }
0x73: {  	_ =	shalt  }
0x74: {  	_ =	shalt  }
0x75: {  	_ =	shalt  }
0x76: {  	_ =	shalt  }
0x77: {  	_ =	shalt  }
0x78: {  	_ =	shalt  }
0x79: {  	_ =	shalt  }
0x7a: {  	_ =	shalt  }
0x7b: {  	_ =	shalt  }
0x7c: {  	_ =	shalt  }
0x7d: {  	_ =	shalt  }
0x7e: {  	_ =	shalt  }
0x7f: {  	_ =	shalt  }
0x80: {  	_ =	shalt  }
0x81: {  	_ =	shalt  }
0x82: {  	_ =	shalt  }
0x83: {  	_ =	shalt  }
0x84: {  	_ =	shalt  }
0x85: {  	_ =	shalt  }
0x86: {  	_ =	shalt  }
0x87: {  	_ =	shalt  }
.Lfunc_end0:
.L_simem_size_0:
called_computation_lowered:
.L_overlay_start_0:
0x88: {  	s2 =	sld [smem:$0x3FD9]  }
0x89: {  	s3 =	sld [smem:$0x3FFE];
	_ =	sdelay $0x1  }
0x8a: {  	s1 =	srdreg.scid  }
0x8b: {  	s0 =	sand.u32 $0x1, s1  }
0x8c: {  	s17 =	sshll.u32 s0, $0xA;
	s2 =	sadd.s32 s3, s2  }
0x8d: {  	s2 =	sadd.s32 s2, s17  }
0x8e: {  	[smem:$0x3FC7] =	sst s2  }
0x8f: {  	_ = 	snop  }
0x90: {  	s2 =	sld [smem:$0x3FC9];
	(tm) =	ssettm $0x1  }
0x91: {  	s18 =	sld [smem:$0x3FFB];
	_ =	sdelay $0x3  }
0x92: {  	_ =	strace s18  }
0x93: {  	s3 =	sld [smem:$0x3FFC];
	_ =	sdelay $0x3  }
0x94: {  	_ =	strace s3  }
0x95: {  	s3 =	sld [smem:$0x3FFD];
	_ =	sdelay $0x3  }
0x96: {  	_ =	strace s3  }
0x97: {  	_ =	strace $0x8FFFFFFF  }
0x98: {  	s19 =	sld [smem:$0x3FDB];
	_ =	sdelay $0x1  }
0x99: {  	s4 =	simm.s32 $_scs_section_size  }
0x9a: {  	s5 =	simm.s32 $_size__tile_overlayer_lowered;
	s6 =	simm.s32 $_tile_overlayer_lowered  }
0x9b: {  	s22 =	simm.s32 $0x1BFF;
	s21 =	sshll.u32 s6, $0x1;
	s3 =	sadd.s32 s4, s19  }
0x9c: {  	s7 =	simm.s32 $0x0;
	s20 =	sshll.u32 s5, $0x1;
	s5 =	sadd.s32 s21, s3  }
0x9d: {  	[timem:s7], [sflag:s22] =	dma.local [hbm:s5], s20  }
0x9e: {  	_ =	swait.ge [sflag:s22], s20  }
0x9f: {  	s4 =	ssub.s32 $0x0, s20;
	[sflag:s22] =	ssyncset.done $0x0  }
0xa0: {  	[sflag:s22] =	ssyncadd.s32 s4;
	_ =	sdelay $0x1  }
0xa1: {  	s23 =	simm.s32 $0x1B8B  }
0xa2: {  	_ =	swait.ge [sflag:s23], $0x1  }
0xa3: {  	[sflag:s23] =	ssyncset.done $0x0  }
0xa4: {  	s25 =	simm.s32 $0x1B8E;
	s24 =	sld [smem:$0x3FFE];
	[sflag:s23] =	ssyncadd.s32 $0xFFFFFFFF  }
0xa5: {  	s26 =	simm.s32 $execute0_lowered;
	[smem:$0x3FD2] =	sst s25  }
0xa6: {  	s5 =	sshll.u32 s26, $0x1;
	_ =	strace $0x80000046;
	[dreg:$0x1] =	wrdreg $0xFFFFFFFF  }
0xa7: {  	s28 =	simm.s32 $_size_execute0_lowered;
	s3 =	sadd.s32 s3, s5;
	[dreg:$0x0] =	wrdreg $0x0  }
0xa8: {  	s5 =	sshll.u32 s28, $0x1;
	[dreg:$0x2] =	wrdreg s3  }
0xa9: {  	[dreg:$0x3] =	wrdreg s5  }
0xaa: {  	[dreg:$0x4] =	wrdreg $0xC0  }
0xab: {  	_ =	task [dreg:s7], $0x5FFFF  }
0xac: {  	[dreg:$0x1] =	wrdreg $0xFFFFFFFF  }
0xad: {  	[dreg:$0x0] =	wrdreg $0x60  }
0xae: {  	[dreg:$0x2] =	wrdreg s2  }
0xaf: {  	[dreg:$0x3] =	wrdreg s24  }
0xb0: {  	[dreg:$0x4] =	wrdreg $0x9  }
0xb1: {  	_ =	task.clear_ibuf [dreg:s7], $0x5FFFF;
	_ =	strace $0x90000046  }
0xb2: {  	s29 =	simm.s32 $0x9;
	_ =	strace $0x80000048  }
0xb3: {  	_ =	swait.ge [sflag:s29], $0x1  }
0xb4: {  	[sflag:s29] =	ssyncadd.s32 $0xFFFFFFFF  }
0xb5: {  	_ =	strace $0x90000048  }
0xb6: {  	_ =	sfence  }
0xb7: {  	s30 =	sld [smem:$0x0];
	_ =	sdelay $0x2  }
0xb8: {  	s31 =	sshll.u32 s1, $0xD;
	s1 =	sshrl.u32 s1, $0x2  }
0xb9: {  	s3 =	sand.u32 $0x4000, s31;
	s1 =	sadd.s32 s1, s30  }
0xba: {  	s0 =	sor.u32 s3, s0;
	s1 =	sshll.u32 s1, $0x11  }
0xbb: {  	s0 =	sor.u32 s1, s0  }
0xbc: {  	s0 =	sadd.s32 $0x8F2B, s0  }
0xbd: {  	[sflag:s0] =	ssyncadd.remote.s32 $0x1  }
0xbe: {  	_ =	sfence.sel $0xFFFF  }
0xbf: {  	[dreg:$0x0] =	wrdreg $0xFFFFFFFF;
	(pc) =	sbr.abs _section_cstart, $3  }
0xc0: {  	[dreg:$0x1] =	wrdreg $0xFFFFFFFF  }
0xc1: {  	_ =	task.clear_ibuf [dreg:s7], $0x2FFFF;
	_ =	strace $0x9FFFFFFF  }
0xc2: {  	(tm) =	ssettm $0x7FFFFFFF  }
0xc3: {  	_ =	shalt  }
tec
execute0_lowered:
.L_overlay_start_1:
0x0: {  	(tag) =	ssettag $0x1  }
0x1: {  	v0 =	vimm.s32 $0x2380  }
0x2: {  	vm14 =	vcmask $0x300;
	vm13 =	vcmask $0x704;
	vm12 =	vcmask $0xB08  }
0x3: {  	vm11 =	vcmask $0xF0C;
	vm10 =	vcmask $0x1310;
	vm9 =	vcmask $0x1714  }
0x4: {  	vm8 =	vcmask $0x1B18;
	vm7 =	vcmask $0x1F1C;
	vm6 =	vcmask $0x2320  }
0x5: {  	vm5 =	vcmask $0x2724;
	vm4 =	vcmask $0x2B28;
	vm3 =	vcmask $0x2F2C  }
0x6: {  	vm2 =	vcmask $0x3330;
	vm1 =	vcmask $0x3734;
	vm0 =	vcmask $0x3B38  }
0x7: {  	v3 =	vimm.f32 $1.000000000e+00;
	v4 =	vimm.s32 $0x6380;
	v5 =	vimm.s32 $0xA380  }
0x8: {  	v6 =	vimm.s32 $0xE380;
	v0 =	vsel vm14, $0x0, v0;
	v4 =	vsel vm14, $0x4000, v4  }
0x9: {  	v5 =	vsel vm14, $0x8000, v5;
	v6 =	vsel vm14, $0xC000, v6;
	v0 =	vsel vm13, $0x80, v0  }
0xa: {  	v4 =	vsel vm13, $0x4080, v4;
	v5 =	vsel vm13, $0x8080, v5;
	v6 =	vsel vm13, $0xC080, v6  }
0xb: {  	v0 =	vsel vm12, $0x100, v0;
	v4 =	vsel vm12, $0x4100, v4;
	v5 =	vsel vm12, $0x8100, v5  }
0xc: {  	v6 =	vsel vm12, $0xC100, v6;
	v0 =	vsel vm11, $0x180, v0;
	v4 =	vsel vm11, $0x4180, v4  }
0xd: {  	v5 =	vsel vm11, $0x8180, v5;
	v6 =	vsel vm11, $0xC180, v6;
	v0 =	vsel vm10, $0x200, v0  }
0xe: {  	s1 =	rddreg [dreg:$0x0];
	s2 =	srdreg.scid;
	v4 =	vsel vm10, $0x4200, v4;
	v5 =	vsel vm10, $0x8200, v5;
	v6 =	vsel vm10, $0xC200, v6  }
0xf: {  	s0 =	stileid.u32;
	s3 =	rddreg [dreg:$0x1];
	v0 =	vsel vm9, $0x280, v0;
	v4 =	vsel vm9, $0x4280, v4;
	v5 =	vsel vm9, $0x8280, v5  }
0x10: {  	s14 =	simm.s32 $0x6680;
	s15 =	simm.s32 $0xE680;
	s16 =	simm.s32 $0x14680;
	v6 =	vsel vm9, $0xC280, v6;
	v0 =	vsel vm8, $0x300, v0;
	v4 =	vsel vm8, $0x4300, v4  }
0x11: {  	s17 =	simm.s32 $0x1;
	s18 =	simm.s32 $0x2;
	s8 =	smul.u32 $0x380000, s0;
	v5 =	vsel vm8, $0x8300, v5;
	v6 =	vsel vm8, $0xC300, v6;
	v0 =	vsel vm7, $0x380, v0  }
0x12: {  	s19 =	simm.s32 $0x0;
	s9 =	sand.u32 $0x1, s2;
	s28 =	smul.u32 $0x70000, s0;
	v4 =	vsel vm7, $0x4380, v4;
	v5 =	vsel vm7, $0x8380, v5;
	v6 =	vsel vm7, $0xC380, v6  }
0x13: {  	s4 =	sshll.u32 s0, $0x1;
	s2 =	simm.s32 $0x0;
	s12 =	smul.u32 $0x1C0000, s9;
	v0 =	vsel vm6, $0x2000, v0;
	v4 =	vsel vm6, $0x6000, v4;
	v5 =	vsel vm6, $0xA000, v5  }
0x14: {  	s11 =	sadd.s32 $0x400, s3;
	s4 =	sor.u32 s9, s4;
	s13 =	smul.u32 $0x38000, s9;
	v6 =	vsel vm6, $0xE000, v6;
	v0 =	vsel vm5, $0x2080, v0;
	v4 =	vsel vm5, $0x6080, v4  }
0x15: {  	[smem:$0x7FF] =	sst s2;
	s6 =	ssub.s32 $0x2, s9;
	s5 =	smul.u32 $0xC8, s4;
	v5 =	vsel vm5, $0xA080, v5;
	v6 =	vsel vm5, $0xE080, v6;
	v0 =	vsel vm4, $0x2100, v0  }
0x16: {  	_ =	strace $0x80000047;
	s4 =	smul.u32 $0x38000, s4;
	s25 =	sshrl.u32 s6, $0x1;
	v4 =	vsel vm4, $0x6100, v4;
	v5 =	vsel vm4, $0xA100, v5;
	v6 =	vsel vm4, $0xE100, v6  }
0x17: {  	s31 =	sadd.s32 s28, s11;
	s10 =	ssub.s32 s6, s25;
	s26 =	sadd.s32 s12, s8;
	v0 =	vsel vm3, $0x2180, v0;
	v4 =	vsel vm3, $0x6180, v4;
	v5 =	vsel vm3, $0xA180, v5  }
0x18: {  	s12 =	simm.s32 $0x3;
	s3 =	sadd.s32 s11, s4;
	s4 =	sadd.s32 s1, s5;
	v6 =	vsel vm3, $0xE180, v6;
	v1 =	vsel vm2, $0x2200, v0;
	v0 =	vimm.s32 $0x0  }
0x19: {  	s8 =	smax.u32 s10, $0x1;
	s29 =	sor.u32 $0x30000, s26;
	s1 =	sor.u32 $0x22000, s26;
	v4 =	vsel vm2, $0x6200, v4;
	v5 =	vsel vm2, $0xA200, v5;
	v6 =	vsel vm2, $0xE200, v6  }
0x1a: {  	s10 =	sadd.s32 s13, s31;
	s13 =	simm.s32 $0x680;
	s5 =	sadd.s32 $0xC00, s3;
	v2 =	vsel vm1, $0x2280, v1;
	v1 =	vimm.f32 $0.0e+00;
	v4 =	vsel vm1, $0x6280, v4  }
0x1b: {  	s6 =	sadd.s32 $0x1C00, s3;
	s30 =	sshrl.u32 s29, $0x3;
	s1 =	sshrl.u32 s1, $0x3;
	v5 =	vsel vm1, $0xA280, v5;
	v6 =	vsel vm1, $0xE280, v6;
	v2 =	vsel vm0, $0x2300, v2  }
0x1c: {  	s7 =	sadd.s32 $0x2800, s3;
	s9 =	sadd.s32 s30, s11;
	s11 =	sadd.s32 s1, s11;
	v4 =	vsel vm0, $0x6300, v4;
	v5 =	vsel vm0, $0xA300, v5;
	v6 =	vsel vm0, $0xE300, v6  }
.LBB2_1:
0x1d: {  	[tilespmem:s2], [sflag:$0x3] =	stream.linear.gather [hbm4b:s4+s2], $0x640, $0x38;
	[tilespmem:$0x1C680] =	vst v63  }
0x1e: {  	_ =	swait.ge [sflag:s12], $0x640  }
0x1f: {  	[sflag:s12] =	ssyncset.done $0x0  }
0x20: {  	s20 =	simm.s32 $0xFFFF3800;
	[sflag:s12] =	ssyncadd.s32 $0xFFFFF9C0  }
0x21: {  	s21 =	simm.s32 $0x0;
	s22 =	simm.s32 $0x0;
	s23 =	simm.s32 $0x0;
	[tilespmem:$0x640] =	vst v0  }
.LBB2_2:
0x22: {  	s1 =	sadd.s32 $0xC800, s20  }
0x23: {  	s24 =	sand.u32 $0x380, s23;
	s1 =	sand.u32 $0xE000, s1  }
0x24: {  	s24 =	sor.u32 s24, s1  }
0x25: {  	[tilespmem:s24+$0x680] =	vst v1  }
0x26: {  	[tilespmem:s24+$0x690] =	vst v1  }
0x27: {  	[tilespmem:s24+$0x6A0] =	vst v1  }
0x28: {  	[tilespmem:s24+$0x6B0] =	vst v1  }
0x29: {  	[tilespmem:s24+$0x6C0] =	vst v1  }
0x2a: {  	[tilespmem:s24+$0x6D0] =	vst v1  }
0x2b: {  	[tilespmem:s24+$0x6E0] =	vst v1  }
0x2c: {  	[tilespmem:s24+$0x6F0] =	vst v1  }
0x2d: {  	[tilespmem:s24+$0xA80] =	vst v1  }
0x2e: {  	[tilespmem:s24+$0xA90] =	vst v1  }
0x2f: {  	[tilespmem:s24+$0xAA0] =	vst v1  }
0x30: {  	[tilespmem:s24+$0xAB0] =	vst v1  }
0x31: {  	[tilespmem:s24+$0xAC0] =	vst v1  }
0x32: {  	[tilespmem:s24+$0xAD0] =	vst v1  }
0x33: {  	[tilespmem:s24+$0xAE0] =	vst v1  }
0x34: {  	[tilespmem:s24+$0xAF0] =	vst v1  }
0x35: {  	[tilespmem:s24+$0xE80] =	vst v1  }
0x36: {  	[tilespmem:s24+$0xE90] =	vst v1  }
0x37: {  	[tilespmem:s24+$0xEA0] =	vst v1  }
0x38: {  	[tilespmem:s24+$0xEB0] =	vst v1  }
0x39: {  	[tilespmem:s24+$0xEC0] =	vst v1  }
0x3a: {  	[tilespmem:s24+$0xED0] =	vst v1  }
0x3b: {  	[tilespmem:s24+$0xEE0] =	vst v1  }
0x3c: {  	[tilespmem:s24+$0xEF0] =	vst v1  }
0x3d: {  	[tilespmem:s24+$0x1280] =	vst v1  }
0x3e: {  	[tilespmem:s24+$0x1290] =	vst v1  }
0x3f: {  	[tilespmem:s24+$0x12A0] =	vst v1  }
0x40: {  	[tilespmem:s24+$0x12B0] =	vst v1  }
0x41: {  	[tilespmem:s24+$0x12C0] =	vst v1  }
0x42: {  	[tilespmem:s24+$0x12D0] =	vst v1  }
0x43: {  	[tilespmem:s24+$0x12E0] =	vst v1  }
0x44: {  	[tilespmem:s24+$0x12F0] =	vst v1  }
0x45: {  	[tilespmem:s24+$0x1680] =	vst v1  }
0x46: {  	[tilespmem:s24+$0x1690] =	vst v1  }
0x47: {  	[tilespmem:s24+$0x16A0] =	vst v1  }
0x48: {  	[tilespmem:s24+$0x16B0] =	vst v1  }
0x49: {  	[tilespmem:s24+$0x16C0] =	vst v1  }
0x4a: {  	[tilespmem:s24+$0x16D0] =	vst v1  }
0x4b: {  	[tilespmem:s24+$0x16E0] =	vst v1  }
0x4c: {  	[tilespmem:s24+$0x16F0] =	vst v1  }
0x4d: {  	[tilespmem:s24+$0x1A80] =	vst v1  }
0x4e: {  	[tilespmem:s24+$0x1A90] =	vst v1  }
0x4f: {  	[tilespmem:s24+$0x1AA0] =	vst v1  }
0x50: {  	[tilespmem:s24+$0x1AB0] =	vst v1  }
0x51: {  	[tilespmem:s24+$0x1AC0] =	vst v1  }
0x52: {  	[tilespmem:s24+$0x1AD0] =	vst v1  }
0x53: {  	[tilespmem:s24+$0x1AE0] =	vst v1  }
0x54: {  	[tilespmem:s24+$0x1AF0] =	vst v1  }
0x55: {  	[tilespmem:s24+$0x1E80] =	vst v1  }
0x56: {  	[tilespmem:s24+$0x1E90] =	vst v1  }
0x57: {  	[tilespmem:s24+$0x1EA0] =	vst v1  }
0x58: {  	[tilespmem:s24+$0x1EB0] =	vst v1  }
0x59: {  	s31 =	sand.u32 $0x7, s21;
	[tilespmem:s24+$0x1EC0] =	vst v1  }
0x5a: {  	s1 =	sshll.u32 s31, $0x7;
	[tilespmem:s24+$0x1ED0] =	vst v1  }
0x5b: {  	s31 =	sadd.s32 s1, s22;
	[tilespmem:s24+$0x1EE0] =	vst v1  }
0x5c: {  	[tilespmem:s24+$0x1EF0] =	vst v1;
	s25 =	sor.u32 $0x1C00, s31  }
0x5d: {  	s26 =	sor.u32 $0x1C10, s31;
	[tilespmem:s25+$0x680] =	vst v1  }
0x5e: {  	s28 =	sor.u32 $0x1C20, s31;
	[tilespmem:s26+$0x680] =	vst v1  }
0x5f: {  	s29 =	sor.u32 $0x1C30, s31;
	[tilespmem:s28+$0x680] =	vst v1  }
0x60: {  	s30 =	sor.u32 $0x1C40, s31;
	[tilespmem:s29+$0x680] =	vst v1  }
0x61: {  	s1 =	sor.u32 $0x1C50, s31;
	[tilespmem:s30+$0x680] =	vst v1  }
0x62: {  	s31 =	sor.u32 $0x1C58, s31;
	[tilespmem:s1+$0x680] =	vst v1  }
0x63: {  	[tilespmem:s31+$0x680] =	vst v1  }
0x64: {  	[tilespmem:s24+$0xE680] =	vst v1  }
0x65: {  	[tilespmem:s24+$0xE690] =	vst v1  }
0x66: {  	[tilespmem:s24+$0xE6A0] =	vst v1  }
0x67: {  	[tilespmem:s24+$0xE6B0] =	vst v1  }
0x68: {  	[tilespmem:s24+$0xE6C0] =	vst v1  }
0x69: {  	[tilespmem:s24+$0xE6D0] =	vst v1  }
0x6a: {  	[tilespmem:s24+$0xE6E0] =	vst v1  }
0x6b: {  	[tilespmem:s24+$0xE6F0] =	vst v1  }
0x6c: {  	[tilespmem:s24+$0xEA80] =	vst v1  }
0x6d: {  	[tilespmem:s24+$0xEA90] =	vst v1  }
0x6e: {  	[tilespmem:s24+$0xEAA0] =	vst v1  }
0x6f: {  	[tilespmem:s24+$0xEAB0] =	vst v1  }
0x70: {  	[tilespmem:s24+$0xEAC0] =	vst v1  }
0x71: {  	[tilespmem:s24+$0xEAD0] =	vst v1  }
0x72: {  	[tilespmem:s24+$0xEAE0] =	vst v1  }
0x73: {  	[tilespmem:s24+$0xEAF0] =	vst v1  }
0x74: {  	[tilespmem:s24+$0xEE80] =	vst v1  }
0x75: {  	[tilespmem:s24+$0xEE90] =	vst v1  }
0x76: {  	[tilespmem:s24+$0xEEA0] =	vst v1  }
0x77: {  	[tilespmem:s24+$0xEEB0] =	vst v1  }
0x78: {  	[tilespmem:s24+$0xEEC0] =	vst v1  }
0x79: {  	[tilespmem:s24+$0xEED0] =	vst v1  }
0x7a: {  	[tilespmem:s24+$0xEEE0] =	vst v1  }
0x7b: {  	[tilespmem:s24+$0xEEF0] =	vst v1  }
0x7c: {  	[tilespmem:s24+$0xF280] =	vst v1  }
0x7d: {  	[tilespmem:s24+$0xF290] =	vst v1  }
0x7e: {  	[tilespmem:s24+$0xF2A0] =	vst v1  }
0x7f: {  	[tilespmem:s24+$0xF2B0] =	vst v1  }
0x80: {  	[tilespmem:s24+$0xF2C0] =	vst v1  }
0x81: {  	[tilespmem:s24+$0xF2D0] =	vst v1  }
0x82: {  	[tilespmem:s24+$0xF2E0] =	vst v1  }
0x83: {  	[tilespmem:s24+$0xF2F0] =	vst v1  }
0x84: {  	[tilespmem:s24+$0xF680] =	vst v1  }
0x85: {  	[tilespmem:s24+$0xF690] =	vst v1  }
0x86: {  	[tilespmem:s24+$0xF6A0] =	vst v1  }
0x87: {  	[tilespmem:s24+$0xF6B0] =	vst v1  }
0x88: {  	[tilespmem:s24+$0xF6C0] =	vst v1  }
0x89: {  	[tilespmem:s24+$0xF6D0] =	vst v1  }
0x8a: {  	[tilespmem:s24+$0xF6E0] =	vst v1  }
0x8b: {  	[tilespmem:s24+$0xF6F0] =	vst v1  }
0x8c: {  	[tilespmem:s24+$0xFA80] =	vst v1  }
0x8d: {  	[tilespmem:s24+$0xFA90] =	vst v1  }
0x8e: {  	[tilespmem:s24+$0xFAA0] =	vst v1  }
0x8f: {  	[tilespmem:s24+$0xFAB0] =	vst v1  }
0x90: {  	[tilespmem:s24+$0xFAC0] =	vst v1  }
0x91: {  	[tilespmem:s24+$0xFAD0] =	vst v1  }
0x92: {  	[tilespmem:s24+$0xFAE0] =	vst v1  }
0x93: {  	[tilespmem:s24+$0xFAF0] =	vst v1  }
0x94: {  	[tilespmem:s24+$0xFE80] =	vst v1  }
0x95: {  	[tilespmem:s24+$0xFE90] =	vst v1  }
0x96: {  	[tilespmem:s24+$0xFEA0] =	vst v1  }
0x97: {  	[tilespmem:s24+$0xFEB0] =	vst v1  }
0x98: {  	[tilespmem:s24+$0xFEC0] =	vst v1  }
0x99: {  	[tilespmem:s24+$0xFED0] =	vst v1  }
0x9a: {  	[tilespmem:s24+$0xFEE0] =	vst v1  }
0x9b: {  	[tilespmem:s24+$0xFEF0] =	vst v1  }
0x9c: {  	[tilespmem:s25+$0xE680] =	vst v1  }
0x9d: {  	p0 =	sne.s32 s23, $0x1880;
	[tilespmem:s26+$0xE680] =	vst v1  }
.Ltmp0:
0x9e: {  	[tilespmem:s28+$0xE680] =	vst v1;
	(pc) =	sbr.rel @p0 .LBB2_2-.Ltmp0, $4  }
0x9f: {  	[tilespmem:s29+$0xE680] =	vst v1  }
0xa0: {  	[tilespmem:s30+$0xE680] =	vst v1  }
0xa1: {  	s21 =	sadd.s32 $0x1, s21;
	[tilespmem:s1+$0xE680] =	vst v1  }
0xa2: {  	s20 =	sadd.s32 $0x400, s20;
	s23 =	sadd.s32 $0x80, s23;
	s22 =	sadd.s32 $0x400, s22;
	[tilespmem:s31+$0xE680] =	vst v1  }
0xa3: {  	v7 =	vld [tilespmem:$0x0];
	_ =	sdelay $0x4  }
0xa4: {  	v8 =	vshll.u32 v7, $0x3  }
0xa5: {  	v7 =	vand.u32 $0x7F, v7;
	v8 =	vand.u32 $0xFFFFFC00, v8  }
0xa6: {  	v7 =	vor.u32 v7, v8  }
0xa7: {  	v7 =	vadd.s32 v2, v7;
	_ =	sdelay $0x4  }
0xa8: {  	[tilespmem:v7+s13+$0x0] =	vst.idx.msk $0xffff, v3  }
0xa9: {  	v7 =	vld [tilespmem:$0x10];
	_ =	sdelay $0x4  }
0xaa: {  	v8 =	vshll.u32 v7, $0x3  }
0xab: {  	v7 =	vand.u32 $0x7F, v7;
	v8 =	vand.u32 $0xFFFFFC00, v8  }
0xac: {  	v7 =	vor.u32 v7, v8  }
0xad: {  	v7 =	vadd.s32 v4, v7;
	_ =	sdelay $0x4  }
0xae: {  	[tilespmem:v7+s13+$0x0] =	vst.idx.msk $0xffff, v3  }
0xaf: {  	v7 =	vld [tilespmem:$0x20];
	_ =	sdelay $0x4  }
0xb0: {  	v8 =	vshll.u32 v7, $0x3  }
0xb1: {  	v7 =	vand.u32 $0x7F, v7;
	v8 =	vand.u32 $0xFFFFFC00, v8  }
0xb2: {  	v7 =	vor.u32 v7, v8  }
0xb3: {  	v7 =	vadd.s32 v5, v7;
	_ =	sdelay $0x4  }
0xb4: {  	[tilespmem:v7+s13+$0x0] =	vst.idx.msk $0xffff, v3  }
0xb5: {  	v7 =	vld [tilespmem:$0x30];
	_ =	sdelay $0x4  }
0xb6: {  	v8 =	vshll.u32 v7, $0x3  }
0xb7: {  	v7 =	vand.u32 $0x7F, v7;
	v8 =	vand.u32 $0xFFFFFC00, v8  }
0xb8: {  	v7 =	vor.u32 v7, v8  }
0xb9: {  	v7 =	vadd.s32 v6, v7;
	_ =	sdelay $0x4  }
0xba: {  	s20 =	simm.s32 $0x0;
	[tilespmem:v7+s13+$0x0] =	vst.idx.msk $0x3, v3  }
0xbb: {  	[hbm4b:s3+s20] =	stream.linear.scatter [tilespmem:s13], [sflag:$0x1], $0x6000, $0x38;
	[tilespmem:$0x1C680] =	vst v63  }
0xbc: {  	_ = 	snop  }
0xbd: {  	[hbm4b:s5+s20] =	stream.linear.scatter [tilespmem:s14], [sflag:$0x1], $0x8000, $0x38;
	[tilespmem:$0x1C680] =	vst v63  }
0xbe: {  	v7 =	vld [tilespmem:$0x32];
	_ =	sdelay $0x4  }
0xbf: {  	v8 =	vshll.u32 v7, $0x3  }
0xc0: {  	v7 =	vand.u32 $0x7F, v7;
	v8 =	vand.u32 $0xFFFFFC00, v8  }
0xc1: {  	v7 =	vor.u32 v7, v8  }
0xc2: {  	v7 =	vadd.s32 v2, v7;
	_ =	sdelay $0x4  }
0xc3: {  	[tilespmem:v7+s15+$0x0] =	vst.idx.msk $0xffff, v3  }
0xc4: {  	v7 =	vld [tilespmem:$0x42];
	_ =	sdelay $0x4  }
0xc5: {  	v8 =	vshll.u32 v7, $0x3  }
0xc6: {  	v7 =	vand.u32 $0x7F, v7;
	v8 =	vand.u32 $0xFFFFFC00, v8  }
0xc7: {  	v7 =	vor.u32 v7, v8  }
0xc8: {  	v7 =	vadd.s32 v4, v7;
	_ =	sdelay $0x4  }
0xc9: {  	[tilespmem:v7+s15+$0x0] =	vst.idx.msk $0xffff, v3  }
0xca: {  	v7 =	vld [tilespmem:$0x52];
	_ =	sdelay $0x4  }
0xcb: {  	v8 =	vshll.u32 v7, $0x3  }
0xcc: {  	v7 =	vand.u32 $0x7F, v7;
	v8 =	vand.u32 $0xFFFFFC00, v8  }
0xcd: {  	v7 =	vor.u32 v7, v8  }
0xce: {  	v7 =	vadd.s32 v5, v7;
	_ =	sdelay $0x4  }
0xcf: {  	[tilespmem:v7+s15+$0x0] =	vst.idx.msk $0xffff, v3  }
0xd0: {  	v7 =	vld [tilespmem:$0x62];
	_ =	sdelay $0x4  }
0xd1: {  	v8 =	vshll.u32 v7, $0x3  }
0xd2: {  	v7 =	vand.u32 $0x7F, v7;
	v8 =	vand.u32 $0xFFFFFC00, v8  }
0xd3: {  	v7 =	vor.u32 v7, v8  }
0xd4: {  	v7 =	vadd.s32 v6, v7;
	_ =	sdelay $0x4  }
0xd5: {  	[tilespmem:v7+s15+$0x0] =	vst.idx.msk $0x3, v3  }
0xd6: {  	[hbm4b:s6+s20] =	stream.linear.scatter [tilespmem:s15], [sflag:$0x2], $0x6000, $0x38;
	[tilespmem:$0x1C680] =	vst v63  }
0xd7: {  	s21 =	simm.s32 $0x64  }
0xd8: {  	[hbm4b:s7+s20] =	stream.linear.scatter [tilespmem:s16], [sflag:$0x2], $0x8000, $0x38;
	[tilespmem:$0x1C680] =	vst v63  }
.LBB2_4:
0xd9: {  	_ =	swait.ge [sflag:s17], $0x6000  }
0xda: {  	[sflag:s17] =	ssyncset.done $0x0  }
0xdb: {  	[sflag:s17] =	ssyncadd.s32 $0xFFFFA000  }
0xdc: {  	_ =	swait.ge [sflag:s17], $0x8000  }
0xdd: {  	[sflag:s17] =	ssyncset.done $0x0  }
0xde: {  	[sflag:s17] =	ssyncadd.s32 $0xFFFF8000  }
0xdf: {  	v7 =	vld [tilespmem:s21+$0xFFFFFF9C];
	_ =	sdelay $0x4  }
0xe0: {  	v8 =	vshll.u32 v7, $0x3  }
0xe1: {  	v7 =	vand.u32 $0x7F, v7;
	v8 =	vand.u32 $0xFFFFFC00, v8  }
0xe2: {  	v7 =	vor.u32 v7, v8  }
0xe3: {  	v7 =	vadd.s32 v2, v7;
	_ =	sdelay $0x4  }
0xe4: {  	[tilespmem:v7+s13+$0x0] =	vst.idx.msk $0xffff, v1  }
0xe5: {  	v7 =	vld [tilespmem:s21+$0xFFFFFFAC];
	_ =	sdelay $0x4  }
0xe6: {  	v8 =	vshll.u32 v7, $0x3  }
0xe7: {  	v7 =	vand.u32 $0x7F, v7;
	v8 =	vand.u32 $0xFFFFFC00, v8  }
0xe8: {  	v7 =	vor.u32 v7, v8  }
0xe9: {  	v7 =	vadd.s32 v4, v7;
	_ =	sdelay $0x4  }
0xea: {  	[tilespmem:v7+s13+$0x0] =	vst.idx.msk $0xffff, v1  }
0xeb: {  	v7 =	vld [tilespmem:s21+$0xFFFFFFBC];
	_ =	sdelay $0x4  }
0xec: {  	v8 =	vshll.u32 v7, $0x3  }
0xed: {  	v7 =	vand.u32 $0x7F, v7;
	v8 =	vand.u32 $0xFFFFFC00, v8  }
0xee: {  	v7 =	vor.u32 v7, v8  }
0xef: {  	v7 =	vadd.s32 v5, v7;
	_ =	sdelay $0x4  }
0xf0: {  	[tilespmem:v7+s13+$0x0] =	vst.idx.msk $0xffff, v1  }
0xf1: {  	v7 =	vld [tilespmem:s21+$0xFFFFFFCC];
	_ =	sdelay $0x4  }
0xf2: {  	v8 =	vshll.u32 v7, $0x3  }
0xf3: {  	v7 =	vand.u32 $0x7F, v7;
	v8 =	vand.u32 $0xFFFFFC00, v8  }
0xf4: {  	v7 =	vor.u32 v7, v8  }
0xf5: {  	v7 =	vadd.s32 v6, v7;
	_ =	sdelay $0x4  }
0xf6: {  	[tilespmem:v7+s13+$0x0] =	vst.idx.msk $0x3, v1  }
0xf7: {  	v7 =	vld [tilespmem:s21+$0x0];
	_ =	sdelay $0x4  }
0xf8: {  	v8 =	vshll.u32 v7, $0x3  }
0xf9: {  	v7 =	vand.u32 $0x7F, v7;
	v8 =	vand.u32 $0xFFFFFC00, v8  }
0xfa: {  	v7 =	vor.u32 v7, v8  }
0xfb: {  	v7 =	vadd.s32 v2, v7;
	_ =	sdelay $0x4  }
0xfc: {  	[tilespmem:v7+s13+$0x0] =	vst.idx.msk $0xffff, v3  }
0xfd: {  	v7 =	vld [tilespmem:s21+$0x10];
	_ =	sdelay $0x4  }
0xfe: {  	v8 =	vshll.u32 v7, $0x3  }
0xff: {  	v7 =	vand.u32 $0x7F, v7;
	v8 =	vand.u32 $0xFFFFFC00, v8  }
0x100: {  	v7 =	vor.u32 v7, v8  }
0x101: {  	v7 =	vadd.s32 v4, v7;
	_ =	sdelay $0x4  }
0x102: {  	[tilespmem:v7+s13+$0x0] =	vst.idx.msk $0xffff, v3  }
0x103: {  	v7 =	vld [tilespmem:s21+$0x20];
	_ =	sdelay $0x4  }
0x104: {  	v8 =	vshll.u32 v7, $0x3  }
0x105: {  	v7 =	vand.u32 $0x7F, v7;
	v8 =	vand.u32 $0xFFFFFC00, v8  }
0x106: {  	v7 =	vor.u32 v7, v8  }
0x107: {  	v7 =	vadd.s32 v5, v7;
	_ =	sdelay $0x4  }
0x108: {  	[tilespmem:v7+s13+$0x0] =	vst.idx.msk $0xffff, v3  }
0x109: {  	v7 =	vld [tilespmem:s21+$0x30];
	_ =	sdelay $0x4  }
0x10a: {  	v8 =	vshll.u32 v7, $0x3  }
0x10b: {  	v7 =	vand.u32 $0x7F, v7;
	v8 =	vand.u32 $0xFFFFFC00, v8  }
0x10c: {  	v7 =	vor.u32 v7, v8  }
0x10d: {  	v7 =	vadd.s32 v6, v7;
	_ =	sdelay $0x3  }
0x10e: {  	s22 =	sadd.s32 s20, s10  }
0x10f: {  	s1 =	sadd.s32 $0x3800, s22;
	[tilespmem:v7+s13+$0x0] =	vst.idx.msk $0x3, v3  }
0x110: {  	[hbm4b:s1+s2] =	stream.linear.scatter [tilespmem:s13], [sflag:$0x1], $0x6000, $0x38;
	[tilespmem:$0x1C680] =	vst v63  }
0x111: {  	s29 =	sadd.s32 s20, s11  }
0x112: {  	[hbm4b:s29+s2] =	stream.linear.scatter [tilespmem:s14], [sflag:$0x1], $0x8000, $0x38;
	[tilespmem:$0x1C680] =	vst v63  }
0x113: {  	_ =	swait.ge [sflag:s18], $0x6000  }
0x114: {  	[sflag:s18] =	ssyncset.done $0x0  }
0x115: {  	[sflag:s18] =	ssyncadd.s32 $0xFFFFA000  }
0x116: {  	_ =	swait.ge [sflag:s18], $0x8000  }
0x117: {  	[sflag:s18] =	ssyncset.done $0x0  }
0x118: {  	[sflag:s18] =	ssyncadd.s32 $0xFFFF8000  }
0x119: {  	v7 =	vld [tilespmem:s21+$0xFFFFFFCE];
	_ =	sdelay $0x4  }
0x11a: {  	v8 =	vshll.u32 v7, $0x3  }
0x11b: {  	v7 =	vand.u32 $0x7F, v7;
	v8 =	vand.u32 $0xFFFFFC00, v8  }
0x11c: {  	v7 =	vor.u32 v7, v8  }
0x11d: {  	v7 =	vadd.s32 v2, v7;
	_ =	sdelay $0x4  }
0x11e: {  	[tilespmem:v7+s15+$0x0] =	vst.idx.msk $0xffff, v1  }
0x11f: {  	v7 =	vld [tilespmem:s21+$0xFFFFFFDE];
	_ =	sdelay $0x4  }
0x120: {  	v8 =	vshll.u32 v7, $0x3  }
0x121: {  	v7 =	vand.u32 $0x7F, v7;
	v8 =	vand.u32 $0xFFFFFC00, v8  }
0x122: {  	v7 =	vor.u32 v7, v8  }
0x123: {  	v7 =	vadd.s32 v4, v7;
	_ =	sdelay $0x4  }
0x124: {  	[tilespmem:v7+s15+$0x0] =	vst.idx.msk $0xffff, v1  }
0x125: {  	v7 =	vld [tilespmem:s21+$0xFFFFFFEE];
	_ =	sdelay $0x4  }
0x126: {  	v8 =	vshll.u32 v7, $0x3  }
0x127: {  	v7 =	vand.u32 $0x7F, v7;
	v8 =	vand.u32 $0xFFFFFC00, v8  }
0x128: {  	v7 =	vor.u32 v7, v8  }
0x129: {  	v7 =	vadd.s32 v5, v7;
	_ =	sdelay $0x4  }
0x12a: {  	[tilespmem:v7+s15+$0x0] =	vst.idx.msk $0xffff, v1  }
0x12b: {  	v7 =	vld [tilespmem:s21+$0xFFFFFFFE];
	_ =	sdelay $0x4  }
0x12c: {  	v8 =	vshll.u32 v7, $0x3  }
0x12d: {  	v7 =	vand.u32 $0x7F, v7;
	v8 =	vand.u32 $0xFFFFFC00, v8  }
0x12e: {  	v7 =	vor.u32 v7, v8  }
0x12f: {  	v7 =	vadd.s32 v6, v7;
	_ =	sdelay $0x4  }
0x130: {  	[tilespmem:v7+s15+$0x0] =	vst.idx.msk $0x3, v1  }
0x131: {  	v7 =	vld [tilespmem:s21+$0x32];
	_ =	sdelay $0x4  }
0x132: {  	v8 =	vshll.u32 v7, $0x3  }
0x133: {  	v7 =	vand.u32 $0x7F, v7;
	v8 =	vand.u32 $0xFFFFFC00, v8  }
0x134: {  	v7 =	vor.u32 v7, v8  }
0x135: {  	v7 =	vadd.s32 v2, v7;
	_ =	sdelay $0x4  }
0x136: {  	[tilespmem:v7+s15+$0x0] =	vst.idx.msk $0xffff, v3  }
0x137: {  	v7 =	vld [tilespmem:s21+$0x42];
	_ =	sdelay $0x4  }
0x138: {  	v8 =	vshll.u32 v7, $0x3  }
0x139: {  	v7 =	vand.u32 $0x7F, v7;
	v8 =	vand.u32 $0xFFFFFC00, v8  }
0x13a: {  	v7 =	vor.u32 v7, v8  }
0x13b: {  	v7 =	vadd.s32 v4, v7;
	_ =	sdelay $0x4  }
0x13c: {  	[tilespmem:v7+s15+$0x0] =	vst.idx.msk $0xffff, v3  }
0x13d: {  	v7 =	vld [tilespmem:s21+$0x52];
	_ =	sdelay $0x4  }
0x13e: {  	v8 =	vshll.u32 v7, $0x3  }
0x13f: {  	v7 =	vand.u32 $0x7F, v7;
	v8 =	vand.u32 $0xFFFFFC00, v8  }
0x140: {  	v7 =	vor.u32 v7, v8  }
0x141: {  	v7 =	vadd.s32 v5, v7;
	_ =	sdelay $0x4  }
0x142: {  	[tilespmem:v7+s15+$0x0] =	vst.idx.msk $0xffff, v3  }
0x143: {  	v7 =	vld [tilespmem:s21+$0x62];
	_ =	sdelay $0x4  }
0x144: {  	v8 =	vshll.u32 v7, $0x3  }
0x145: {  	v7 =	vand.u32 $0x7F, v7;
	v8 =	vand.u32 $0xFFFFFC00, v8  }
0x146: {  	v7 =	vor.u32 v7, v8  }
0x147: {  	v7 =	vadd.s32 v6, v7;
	_ =	sdelay $0x2  }
0x148: {  	p0 =	sne.s32 s20, $0x31000  }
.Ltmp1:
0x149: {  	_ = 	snop;
	(pc) =	sbr.rel @p0 .LBB2_4-.Ltmp1, $4  }
0x14a: {  	s30 =	sadd.s32 $0x5400, s22;
	[tilespmem:v7+s15+$0x0] =	vst.idx.msk $0x3, v3  }
0x14b: {  	[hbm4b:s30+s2] =	stream.linear.scatter [tilespmem:s15], [sflag:$0x2], $0x6000, $0x38;
	[tilespmem:$0x1C680] =	vst v63  }
0x14c: {  	s31 =	sadd.s32 s20, s9;
	s20 =	sadd.s32 $0x3800, s20;
	s21 =	sadd.s32 $0x64, s21  }
0x14d: {  	[hbm4b:s31+s2] =	stream.linear.scatter [tilespmem:s16], [sflag:$0x2], $0x8000, $0x38;
	[tilespmem:$0x1C680] =	vst v63  }
0x14e: {  	_ =	swait.ge [sflag:s17], $0x6000  }
0x14f: {  	[sflag:s17] =	ssyncset.done $0x0  }
0x150: {  	[sflag:s17] =	ssyncadd.s32 $0xFFFFA000  }
0x151: {  	_ =	swait.ge [sflag:s17], $0x8000  }
0x152: {  	[sflag:s17] =	ssyncset.done $0x0  }
0x153: {  	s19 =	sadd.s32 $0x1, s19;
	[sflag:s17] =	ssyncadd.s32 $0xFFFF8000  }
0x154: {  	p0 =	sne.s32 s19, s8;
	_ =	swait.ge [sflag:s18], $0x6000  }
.Ltmp2:
0x155: {  	[sflag:s18] =	ssyncset.done $0x0;
	(pc) =	sbr.rel @p0 .LBB2_1-.Ltmp2, $4  }
0x156: {  	[sflag:s18] =	ssyncadd.s32 $0xFFFFA000  }
0x157: {  	_ =	swait.ge [sflag:s18], $0x8000  }
0x158: {  	[sflag:s18] =	ssyncset.done $0x0  }
0x159: {  	[sflag:s18] =	ssyncadd.s32 $0xFFFF8000  }
0x15a: {  	_ =	sfence.sel $0x180000  }
0x15b: {  	[bflag:$0x0] =	sbarrier.arrive $0xFFFF  }
0x15c: {  	_ =	strace $0x90000047  }
0x15d: {  	[bflag:$0x2] =	sbarrier.arrive $0xFFFF  }
0x15e: {  	p0 =	sne.s32 s0, $0x0;
	s0 =	rddreg [dreg:$0x2]  }
0x15f: {  	s0 =	sadd.s32 @!p0 $0x100000, s0  }
0x160: {  	[sflag:s0] =	ssyncadd.tile.s32 @!p0 $0x1;
	_ =	shalt  }
.Lfunc_end2:
_tile_overlayer_lowered:
.L_overlay_start_2:
0x161: {  	(tag) =	ssettag $0x2  }
0x162: {  	s0 =	rddreg [dreg:$0x0];
	s2 =	stileid.u32  }
0x163: {  	s1 =	rddreg [dreg:$0x1];
	p0 =	sne.s32 s2, $0x0  }
0x164: {  	s3 =	rddreg [dreg:$0x2];
	[bflag:$0x3] =	sbarrier.arrive $0xFFFF;
	s2 =	simm.s32 @!p0 $0x1C03  }
0x165: {  	[timem:s3], [sflag:s2] =	dma.local @!p0 [hbm:s0], s1  }
0x166: {  	s0 =	simm.s32 @!p0 $0x3  }
0x167: {  	_ =	swait.ge @!p0 [sflag:s0], s1  }
0x168: {  	s1 =	ssub.s32 @!p0 $0x0, s1;
	[sflag:s0] =	ssyncset.done @!p0 $0x0  }
0x169: {  	[sflag:s0] =	ssyncadd.s32 @!p0 s1  }
0x16a: {  	[bflag:$0x3] =	sbarrier.arrive $0xFFFF  }
0x16b: {  	_ =	shalt  }

</sc_bundles>
